<compile_context>
chip_gen: v7x
topology: tpu7x:2x2x1
jax: 0.10.2.dev20260603
libtpu: 0.0.44.dev20260713+nightly
codegen_flags: <defaults>
</compile_context>

<pallas_src>
import functools

import jax
import jax.numpy as jnp
from jax import lax
from jax.experimental import pallas as pl
from jax.experimental.pallas import tpu as pltpu
from jax.experimental.pallas import tpu_sc as plsc

_BINS = 128
_LANES = 16
_NSUB = 16
_NCORES = 2
_NTILES = _NCORES * _NSUB


def _sc_minmax_kernel(n_per_tile):
    nv = n_per_tile // _LANES

    def body(data_hbm, out_hbm, buf, stage):
        c = lax.axis_index("c")
        s = lax.axis_index("s")
        n = data_hbm.shape[0] // _NCORES
        base = c * n + s * n_per_tile
        pltpu.sync_copy(data_hbm.at[pl.ds(base, n_per_tile)], buf)

        init = (jnp.full((_LANES,), jnp.inf, jnp.float32),
                jnp.full((_LANES,), -jnp.inf, jnp.float32))

        @plsc.parallel_loop(0, nv, 1, unroll=8, carry=init)
        def mm_loop(i, carry):
            vmin, vmax = carry
            a = buf[pl.ds(i * _LANES, _LANES)]
            return jnp.minimum(vmin, a), jnp.maximum(vmax, a)

        vmin, vmax = mm_loop
        stage[pl.ds(0, _LANES)] = vmin
        stage[pl.ds(_LANES, _LANES)] = vmax
        pltpu.sync_copy(stage, out_hbm.at[c * _NSUB + s])

    return body


def _sc_bin_kernel(n_per_tile):
    nv = n_per_tile // _LANES

    def body(data_hbm, mm_hbm, out_hbm, buf, mm_v, hist, hist_out, sem):
        c = lax.axis_index("c")
        s = lax.axis_index("s")
        n = data_hbm.shape[0] // _NCORES
        base = c * n + s * n_per_tile
        buf_cp = pltpu.async_copy(
            data_hbm.at[pl.ds(base, n_per_tile)], buf, sem)

        pltpu.sync_copy(mm_hbm, mm_v)
        vmin = mm_v[0, pl.ds(0, _LANES)]
        vmax = mm_v[0, pl.ds(_LANES, _LANES)]
        for t in range(1, _NTILES):
            vmin = jnp.minimum(vmin, mm_v[t, pl.ds(0, _LANES)])
            vmax = jnp.maximum(vmax, mm_v[t, pl.ds(_LANES, _LANES)])
        mn = vmin[0]
        mx = vmax[0]
        for i in range(1, _LANES):
            mn = jnp.minimum(mn, vmin[i])
            mx = jnp.maximum(mx, vmax[i])

        scale_v = jnp.broadcast_to(mx - mn, (_LANES,))
        seed = jnp.int32(0x7EF311C3) - lax.bitcast_convert_type(
            scale_v, jnp.int32)
        y = lax.bitcast_convert_type(seed, jnp.float32)
        for _ in range(3):
            y = y * (2.0 - scale_v * y)
        inv = y * jnp.float32(_BINS - 1)

        @plsc.parallel_loop(0, (_LANES * _BINS) // _LANES, 1, unroll=8)
        def _(i):
            hist[pl.ds(i * _LANES, _LANES)] = jnp.zeros((_LANES,),
                                                        jnp.float32)

        lane_base = lax.iota(jnp.int32, _LANES) * _BINS
        limit = jnp.float32(_BINS - 1)
        buf_cp.wait()

        def bin_body(i):
            x = buf[pl.ds(i * _LANES, _LANES)]
            u = jnp.minimum((x - mn) * inv, limit)
            bi = u.astype(jnp.int32)
            f = u - bi.astype(jnp.float32)
            bi1 = jnp.minimum(bi + 1, _BINS - 1)
            plsc.addupdate_scatter(hist, [lane_base + bi], 1.0 - f)
            plsc.addupdate_scatter(hist, [lane_base + bi1], f)

        plsc.parallel_loop(0, nv, 1, unroll=8)(bin_body)

        for g in range(_BINS // _LANES):
            acc = hist[pl.ds(g * _LANES, _LANES)]
            for t in range(1, _LANES):
                acc = acc + hist[pl.ds(t * _BINS + g * _LANES, _LANES)]
            hist_out[pl.ds(g * _LANES, _LANES)] = acc

        pltpu.sync_copy(hist_out, out_hbm.at[c, s])

    return body


def _sc_partial_hists(data):
    n = data.shape[0] // _NCORES
    n_per_tile = n // _NSUB
    mesh = plsc.VectorSubcoreMesh(core_axis_name="c", subcore_axis_name="s")
    mm = pl.kernel(
        _sc_minmax_kernel(n_per_tile),
        out_type=jax.ShapeDtypeStruct((_NTILES, 2 * _LANES),
                                      jnp.float32),
        mesh=mesh,
        compiler_params=pltpu.CompilerParams(needs_layout_passes=False),
        scratch_types=[
            pltpu.VMEM((n_per_tile,), jnp.float32),
            pltpu.VMEM((2 * _LANES,), jnp.float32),
        ],
    )(data)
    part = pl.kernel(
        _sc_bin_kernel(n_per_tile),
        out_type=jax.ShapeDtypeStruct((_NCORES, _NSUB, _BINS),
                                      jnp.float32),
        mesh=mesh,
        compiler_params=pltpu.CompilerParams(needs_layout_passes=False),
        scratch_types=[
            pltpu.VMEM((n_per_tile,), jnp.float32),
            pltpu.VMEM((_NTILES, 2 * _LANES), jnp.float32),
            pltpu.VMEM((_LANES * _BINS,), jnp.float32),
            pltpu.VMEM((_BINS,), jnp.float32),
            pltpu.SemaphoreType.DMA,
        ],
    )(data, mm)
    return part


def _tc_finish_kernel(inv_n2, part_ref, out_ref):
    part = part_ref[...]
    hp = jnp.sum(part[0], axis=0, keepdims=True)
    hn = jnp.sum(part[1], axis=0, keepdims=True)
    row = lax.broadcasted_iota(jnp.int32, (_BINS, _BINS), 0)
    col = lax.broadcasted_iota(jnp.int32, (_BINS, _BINS), 1)
    upper = (row <= col).astype(jnp.float32)
    csum = jnp.dot(hp, upper, preferred_element_type=jnp.float32)
    out_ref[...] = jnp.sum(hn * csum, axis=(0, 1),
                           keepdims=True) * jnp.float32(inv_n2)


def kernel(positive, negative):
    data = jnp.concatenate([positive, negative])
    part = _sc_partial_hists(data)
    n = positive.shape[0]
    inv_n2 = 1.0 / (float(n) * float(n))
    loss = pl.pallas_call(
        functools.partial(_tc_finish_kernel, inv_n2),
        out_shape=jax.ShapeDtypeStruct((1, 1), jnp.float32),
    )(part)
    return loss[0, 0]

# --- scband reference (transcript-rebuilt; emitter-appended) ---
"""Pipeline reference for scband-base-hist-loss-85401129714176 (READ-ONLY COPY).

The authoritative reference and input builder live on the scoring server;
editing this copy changes nothing except your own understanding.
"""

import jax, jax.numpy as jnp
import numpy as np

BINS = 128
ALPHA = 0.0
MIN_VAL = 0.0
MAX_VAL = 1.0
DELTA = (MAX_VAL - MIN_VAL) / (BINS - 1)
T = MIN_VAL + DELTA * jnp.arange(BINS, dtype=jnp.float32)


def norm_min_max_distributions(pos, neg):
    mn = jnp.minimum(jnp.min(pos), jnp.min(neg))
    mx = jnp.maximum(jnp.max(pos), jnp.max(neg))
    scale = mx - mn
    return (pos - mn) / scale, (neg - mn) / scale


def triangular_histogram_with_linear_slope(inputs, t, delta):
    x = inputs.reshape(-1)
    # (bins, N) triangular kernel weights
    w = jax.nn.relu(1.0 - jnp.abs(x[None, :] - t[:, None]) / delta)
    return jnp.sum(w, axis=1) / x.shape[0]


def setup_inputs(seed: int = 0) -> dict:
    key = jax.random.key(seed)
    k1, k2 = jax.random.split(key)
    positive = jax.random.uniform(k1, (262144,), dtype=jnp.float32)
    negative = jax.random.uniform(k2, (262144,), dtype=jnp.float32)
    return {"positive": positive, "negative": negative}


def reference(positive, negative):
    pos, neg = norm_min_max_distributions(positive, negative)
    hist_pos = triangular_histogram_with_linear_slope(pos, T, DELTA)
    hist_neg = triangular_histogram_with_linear_slope(neg, T, DELTA)
    # canonical histogram loss: P(positive score <= negative score)
    loss = jnp.sum(hist_neg * jnp.cumsum(hist_pos))
    if ALPHA > 0:
        loss = loss + ALPHA * (jnp.std(pos, ddof=1) + jnp.std(neg, ddof=1))
    return loss

if __name__ == "__main__":
    import jax
    _d = setup_inputs()
    print(jax.jit(kernel)(*tuple(_d.values())))

</pallas_src>

<mosaic_0001>
#map = affine_map<(d0, d1) -> (0)>
#map1 = affine_map<(d0, d1) -> (0, 0)>
#map2 = affine_map<(d0, d1) -> (0, 0, 0)>
module attributes {stable_mosaic.version = 14 : i64} {
  func.func @body(%arg0: i32, %arg1: i32, %arg2: memref<524288xf32, #tpu.memory_space<hbm>>, %arg3: memref<32x32xf32, #tpu.memory_space<hbm>>, %arg4: memref<2x16x128xf32, #tpu.memory_space<hbm>>, %arg5: memref<16384xf32, #tpu.memory_space<vmem>>, %arg6: memref<32x32xf32, #tpu.memory_space<vmem>>, %arg7: memref<2048xf32, #tpu.memory_space<vmem>>, %arg8: memref<128xf32, #tpu.memory_space<vmem>>, %arg9: memref<!tpu.dma_semaphore, #tpu.memory_space<semaphore_mem>>) attributes {dimension_semantics = [#tpu.dimension_semantics<core_parallel>, #tpu.dimension_semantics<subcore_parallel>], iteration_bounds = array<i64: 2, 16>, scalar_prefetch = 0 : i64, scratch_operands = 5 : i64, tpu.core_type = #tpu.core_type<sc_vector_subcore>, window_params = [{transform_indices = #map}, {transform_indices = #map1}, {transform_indices = #map2}]} {
    %mul3A = arith.constant 262144 : i32
    %mul3A_0 = arith.muli %arg0, %mul3A : i32
    %mul3A_1 = arith.constant 16384 : i32
    %mul3A_2 = arith.muli %arg1, %mul3A_1 : i32
    %add3A = arith.addi %mul3A_0, %mul3A_2 : i32
    %dma_start3A = tpu.memref_slice %arg2[%add3A] : memref<524288xf32, #tpu.memory_space<hbm>> -> memref<16384xf32, #tpu.memory_space<hbm>>
    %dma_start3A_3 = tpu.memref_slice %arg2[%add3A] : memref<524288xf32, #tpu.memory_space<hbm>> -> memref<16384xf32, #tpu.memory_space<hbm>>
    tpu.enqueue_dma source(%dma_start3A_3 : memref<16384xf32, #tpu.memory_space<hbm>>) target(%arg5 : memref<16384xf32, #tpu.memory_space<vmem>>) target_semaphore(%arg9 : memref<!tpu.dma_semaphore, #tpu.memory_space<semaphore_mem>>)
    "tpu.region"() ({
      %run_scoped3A = tpu.sem_alloc : memref<!tpu.dma_semaphore, #tpu.memory_space<semaphore_mem>>
      tpu.enqueue_dma source(%arg3 : memref<32x32xf32, #tpu.memory_space<hbm>>) target(%arg6 : memref<32x32xf32, #tpu.memory_space<vmem>>) target_semaphore(%run_scoped3A : memref<!tpu.dma_semaphore, #tpu.memory_space<semaphore_mem>>)
      tpu.wait_dma2 semaphore(%run_scoped3A : memref<!tpu.dma_semaphore, #tpu.memory_space<semaphore_mem>>) src(%arg3 : memref<32x32xf32, #tpu.memory_space<hbm>>) dst(%arg6 : memref<32x32xf32, #tpu.memory_space<vmem>>)
      tpu.yield
    }) : () -> ()
    %get3A = arith.constant 0 : i32
    %get3A_4 = arith.index_cast %get3A : i32 to index
    %get3A_5 = arith.constant 0 : index
    %get3A_6 = tpu.vector_load %arg6[%get3A_4, %get3A_5] {strides = array<i32>} : memref<32x32xf32, #tpu.memory_space<vmem>>, vector<16xf32>,
    %get3A_7 = arith.constant 0 : i32
    %get3A_8 = arith.index_cast %get3A_7 : i32 to index
    %get3A_9 = arith.constant 16 : index
    %get3A_10 = tpu.vector_load %arg6[%get3A_8, %get3A_9] {strides = array<i32>} : memref<32x32xf32, #tpu.memory_space<vmem>>, vector<16xf32>,
    %get3A_11 = arith.constant 1 : i32
    %get3A_12 = arith.index_cast %get3A_11 : i32 to index
    %get3A_13 = arith.constant 0 : index
    %get3A_14 = tpu.vector_load %arg6[%get3A_12, %get3A_13] {strides = array<i32>} : memref<32x32xf32, #tpu.memory_space<vmem>>, vector<16xf32>,
    %min3A = arith.minimumf %get3A_6, %get3A_14 : vector<16xf32>
    %get3A_15 = arith.constant 1 : i32
    %get3A_16 = arith.index_cast %get3A_15 : i32 to index
    %get3A_17 = arith.constant 16 : index
    %get3A_18 = tpu.vector_load %arg6[%get3A_16, %get3A_17] {strides = array<i32>} : memref<32x32xf32, #tpu.memory_space<vmem>>, vector<16xf32>,
    %max3A = arith.maximumf %get3A_10, %get3A_18 : vector<16xf32>
    %get3A_19 = arith.constant 2 : i32
    %get3A_20 = arith.index_cast %get3A_19 : i32 to index
    %get3A_21 = arith.constant 0 : index
    %get3A_22 = tpu.vector_load %arg6[%get3A_20, %get3A_21] {strides = array<i32>} : memref<32x32xf32, #tpu.memory_space<vmem>>, vector<16xf32>,
    %min3A_23 = arith.minimumf %min3A, %get3A_22 : vector<16xf32>
    %get3A_24 = arith.constant 2 : i32
    %get3A_25 = arith.index_cast %get3A_24 : i32 to index
    %get3A_26 = arith.constant 16 : index
    %get3A_27 = tpu.vector_load %arg6[%get3A_25, %get3A_26] {strides = array<i32>} : memref<32x32xf32, #tpu.memory_space<vmem>>, vector<16xf32>,
    %max3A_28 = arith.maximumf %max3A, %get3A_27 : vector<16xf32>
    %get3A_29 = arith.constant 3 : i32
    %get3A_30 = arith.index_cast %get3A_29 : i32 to index
    %get3A_31 = arith.constant 0 : index
    %get3A_32 = tpu.vector_load %arg6[%get3A_30, %get3A_31] {strides = array<i32>} : memref<32x32xf32, #tpu.memory_space<vmem>>, vector<16xf32>,
    %min3A_33 = arith.minimumf %min3A_23, %get3A_32 : vector<16xf32>
    %get3A_34 = arith.constant 3 : i32
    %get3A_35 = arith.index_cast %get3A_34 : i32 to index
    %get3A_36 = arith.constant 16 : index
    %get3A_37 = tpu.vector_load %arg6[%get3A_35, %get3A_36] {strides = array<i32>} : memref<32x32xf32, #tpu.memory_space<vmem>>, vector<16xf32>,
    %max3A_38 = arith.maximumf %max3A_28, %get3A_37 : vector<16xf32>
    %get3A_39 = arith.constant 4 : i32
    %get3A_40 = arith.index_cast %get3A_39 : i32 to index
    %get3A_41 = arith.constant 0 : index
    %get3A_42 = tpu.vector_load %arg6[%get3A_40, %get3A_41] {strides = array<i32>} : memref<32x32xf32, #tpu.memory_space<vmem>>, vector<16xf32>,
    %min3A_43 = arith.minimumf %min3A_33, %get3A_42 : vector<16xf32>
    %get3A_44 = arith.constant 4 : i32
    %get3A_45 = arith.index_cast %get3A_44 : i32 to index
    %get3A_46 = arith.constant 16 : index
    %get3A_47 = tpu.vector_load %arg6[%get3A_45, %get3A_46] {strides = array<i32>} : memref<32x32xf32, #tpu.memory_space<vmem>>, vector<16xf32>,
    %max3A_48 = arith.maximumf %max3A_38, %get3A_47 : vector<16xf32>
    %get3A_49 = arith.constant 5 : i32
    %get3A_50 = arith.index_cast %get3A_49 : i32 to index
    %get3A_51 = arith.constant 0 : index
    %get3A_52 = tpu.vector_load %arg6[%get3A_50, %get3A_51] {strides = array<i32>} : memref<32x32xf32, #tpu.memory_space<vmem>>, vector<16xf32>,
    %min3A_53 = arith.minimumf %min3A_43, %get3A_52 : vector<16xf32>
    %get3A_54 = arith.constant 5 : i32
    %get3A_55 = arith.index_cast %get3A_54 : i32 to index
    %get3A_56 = arith.constant 16 : index
    %get3A_57 = tpu.vector_load %arg6[%get3A_55, %get3A_56] {strides = array<i32>} : memref<32x32xf32, #tpu.memory_space<vmem>>, vector<16xf32>,
    %max3A_58 = arith.maximumf %max3A_48, %get3A_57 : vector<16xf32>
    %get3A_59 = arith.constant 6 : i32
    %get3A_60 = arith.index_cast %get3A_59 : i32 to index
    %get3A_61 = arith.constant 0 : index
    %get3A_62 = tpu.vector_load %arg6[%get3A_60, %get3A_61] {strides = array<i32>} : memref<32x32xf32, #tpu.memory_space<vmem>>, vector<16xf32>,
    %min3A_63 = arith.minimumf %min3A_53, %get3A_62 : vector<16xf32>
    %get3A_64 = arith.constant 6 : i32
    %get3A_65 = arith.index_cast %get3A_64 : i32 to index
    %get3A_66 = arith.constant 16 : index
    %get3A_67 = tpu.vector_load %arg6[%get3A_65, %get3A_66] {strides = array<i32>} : memref<32x32xf32, #tpu.memory_space<vmem>>, vector<16xf32>,
    %max3A_68 = arith.maximumf %max3A_58, %get3A_67 : vector<16xf32>
    %get3A_69 = arith.constant 7 : i32
    %get3A_70 = arith.index_cast %get3A_69 : i32 to index
    %get3A_71 = arith.constant 0 : index
    %get3A_72 = tpu.vector_load %arg6[%get3A_70, %get3A_71] {strides = array<i32>} : memref<32x32xf32, #tpu.memory_space<vmem>>, vector<16xf32>,
    %min3A_73 = arith.minimumf %min3A_63, %get3A_72 : vector<16xf32>
    %get3A_74 = arith.constant 7 : i32
    %get3A_75 = arith.index_cast %get3A_74 : i32 to index
    %get3A_76 = arith.constant 16 : index
    %get3A_77 = tpu.vector_load %arg6[%get3A_75, %get3A_76] {strides = array<i32>} : memref<32x32xf32, #tpu.memory_space<vmem>>, vector<16xf32>,
    %max3A_78 = arith.maximumf %max3A_68, %get3A_77 : vector<16xf32>
    %get3A_79 = arith.constant 8 : i32
    %get3A_80 = arith.index_cast %get3A_79 : i32 to index
    %get3A_81 = arith.constant 0 : index
    %get3A_82 = tpu.vector_load %arg6[%get3A_80, %get3A_81] {strides = array<i32>} : memref<32x32xf32, #tpu.memory_space<vmem>>, vector<16xf32>,
    %min3A_83 = arith.minimumf %min3A_73, %get3A_82 : vector<16xf32>
    %get3A_84 = arith.constant 8 : i32
    %get3A_85 = arith.index_cast %get3A_84 : i32 to index
    %get3A_86 = arith.constant 16 : index
    %get3A_87 = tpu.vector_load %arg6[%get3A_85, %get3A_86] {strides = array<i32>} : memref<32x32xf32, #tpu.memory_space<vmem>>, vector<16xf32>,
    %max3A_88 = arith.maximumf %max3A_78, %get3A_87 : vector<16xf32>
    %get3A_89 = arith.constant 9 : i32
    %get3A_90 = arith.index_cast %get3A_89 : i32 to index
    %get3A_91 = arith.constant 0 : index
    %get3A_92 = tpu.vector_load %arg6[%get3A_90, %get3A_91] {strides = array<i32>} : memref<32x32xf32, #tpu.memory_space<vmem>>, vector<16xf32>,
    %min3A_93 = arith.minimumf %min3A_83, %get3A_92 : vector<16xf32>
    %get3A_94 = arith.constant 9 : i32
    %get3A_95 = arith.index_cast %get3A_94 : i32 to index
    %get3A_96 = arith.constant 16 : index
    %get3A_97 = tpu.vector_load %arg6[%get3A_95, %get3A_96] {strides = array<i32>} : memref<32x32xf32, #tpu.memory_space<vmem>>, vector<16xf32>,
    %max3A_98 = arith.maximumf %max3A_88, %get3A_97 : vector<16xf32>
    %get3A_99 = arith.constant 10 : i32
    %get3A_100 = arith.index_cast %get3A_99 : i32 to index
    %get3A_101 = arith.constant 0 : index
    %get3A_102 = tpu.vector_load %arg6[%get3A_100, %get3A_101] {strides = array<i32>} : memref<32x32xf32, #tpu.memory_space<vmem>>, vector<16xf32>,
    %min3A_103 = arith.minimumf %min3A_93, %get3A_102 : vector<16xf32>
    %get3A_104 = arith.constant 10 : i32
    %get3A_105 = arith.index_cast %get3A_104 : i32 to index
    %get3A_106 = arith.constant 16 : index
    %get3A_107 = tpu.vector_load %arg6[%get3A_105, %get3A_106] {strides = array<i32>} : memref<32x32xf32, #tpu.memory_space<vmem>>, vector<16xf32>,
    %max3A_108 = arith.maximumf %max3A_98, %get3A_107 : vector<16xf32>
    %get3A_109 = arith.constant 11 : i32
    %get3A_110 = arith.index_cast %get3A_109 : i32 to index
    %get3A_111 = arith.constant 0 : index
    %get3A_112 = tpu.vector_load %arg6[%get3A_110, %get3A_111] {strides = array<i32>} : memref<32x32xf32, #tpu.memory_space<vmem>>, vector<16xf32>,
    %min3A_113 = arith.minimumf %min3A_103, %get3A_112 : vector<16xf32>
    %get3A_114 = arith.constant 11 : i32
    %get3A_115 = arith.index_cast %get3A_114 : i32 to index
    %get3A_116 = arith.constant 16 : index
    %get3A_117 = tpu.vector_load %arg6[%get3A_115, %get3A_116] {strides = array<i32>} : memref<32x32xf32, #tpu.memory_space<vmem>>, vector<16xf32>,
    %max3A_118 = arith.maximumf %max3A_108, %get3A_117 : vector<16xf32>
    %get3A_119 = arith.constant 12 : i32
    %get3A_120 = arith.index_cast %get3A_119 : i32 to index
    %get3A_121 = arith.constant 0 : index
    %get3A_122 = tpu.vector_load %arg6[%get3A_120, %get3A_121] {strides = array<i32>} : memref<32x32xf32, #tpu.memory_space<vmem>>, vector<16xf32>,
    %min3A_123 = arith.minimumf %min3A_113, %get3A_122 : vector<16xf32>
    %get3A_124 = arith.constant 12 : i32
    %get3A_125 = arith.index_cast %get3A_124 : i32 to index
    %get3A_126 = arith.constant 16 : index
    %get3A_127 = tpu.vector_load %arg6[%get3A_125, %get3A_126] {strides = array<i32>} : memref<32x32xf32, #tpu.memory_space<vmem>>, vector<16xf32>,
    %max3A_128 = arith.maximumf %max3A_118, %get3A_127 : vector<16xf32>
    %get3A_129 = arith.constant 13 : i32
    %get3A_130 = arith.index_cast %get3A_129 : i32 to index
    %get3A_131 = arith.constant 0 : index
    %get3A_132 = tpu.vector_load %arg6[%get3A_130, %get3A_131] {strides = array<i32>} : memref<32x32xf32, #tpu.memory_space<vmem>>, vector<16xf32>,
    %min3A_133 = arith.minimumf %min3A_123, %get3A_132 : vector<16xf32>
    %get3A_134 = arith.constant 13 : i32
    %get3A_135 = arith.index_cast %get3A_134 : i32 to index
    %get3A_136 = arith.constant 16 : index
    %get3A_137 = tpu.vector_load %arg6[%get3A_135, %get3A_136] {strides = array<i32>} : memref<32x32xf32, #tpu.memory_space<vmem>>, vector<16xf32>,
    %max3A_138 = arith.maximumf %max3A_128, %get3A_137 : vector<16xf32>
    %get3A_139 = arith.constant 14 : i32
    %get3A_140 = arith.index_cast %get3A_139 : i32 to index
    %get3A_141 = arith.constant 0 : index
    %get3A_142 = tpu.vector_load %arg6[%get3A_140, %get3A_141] {strides = array<i32>} : memref<32x32xf32, #tpu.memory_space<vmem>>, vector<16xf32>,
    %min3A_143 = arith.minimumf %min3A_133, %get3A_142 : vector<16xf32>
    %get3A_144 = arith.constant 14 : i32
    %get3A_145 = arith.index_cast %get3A_144 : i32 to index
    %get3A_146 = arith.constant 16 : index
    %get3A_147 = tpu.vector_load %arg6[%get3A_145, %get3A_146] {strides = array<i32>} : memref<32x32xf32, #tpu.memory_space<vmem>>, vector<16xf32>,
    %max3A_148 = arith.maximumf %max3A_138, %get3A_147 : vector<16xf32>
    %get3A_149 = arith.constant 15 : i32
    %get3A_150 = arith.index_cast %get3A_149 : i32 to index
    %get3A_151 = arith.constant 0 : index
    %get3A_152 = tpu.vector_load %arg6[%get3A_150, %get3A_151] {strides = array<i32>} : memref<32x32xf32, #tpu.memory_space<vmem>>, vector<16xf32>,
    %min3A_153 = arith.minimumf %min3A_143, %get3A_152 : vector<16xf32>
    %get3A_154 = arith.constant 15 : i32
    %get3A_155 = arith.index_cast %get3A_154 : i32 to index
    %get3A_156 = arith.constant 16 : index
    %get3A_157 = tpu.vector_load %arg6[%get3A_155, %get3A_156] {strides = array<i32>} : memref<32x32xf32, #tpu.memory_space<vmem>>, vector<16xf32>,
    %max3A_158 = arith.maximumf %max3A_148, %get3A_157 : vector<16xf32>
    %get3A_159 = arith.constant 16 : i32
    %get3A_160 = arith.index_cast %get3A_159 : i32 to index
    %get3A_161 = arith.constant 0 : index
    %get3A_162 = tpu.vector_load %arg6[%get3A_160, %get3A_161] {strides = array<i32>} : memref<32x32xf32, #tpu.memory_space<vmem>>, vector<16xf32>,
    %min3A_163 = arith.minimumf %min3A_153, %get3A_162 : vector<16xf32>
    %get3A_164 = arith.constant 16 : i32
    %get3A_165 = arith.index_cast %get3A_164 : i32 to index
    %get3A_166 = arith.constant 16 : index
    %get3A_167 = tpu.vector_load %arg6[%get3A_165, %get3A_166] {strides = array<i32>} : memref<32x32xf32, #tpu.memory_space<vmem>>, vector<16xf32>,
    %max3A_168 = arith.maximumf %max3A_158, %get3A_167 : vector<16xf32>
    %get3A_169 = arith.constant 17 : i32
    %get3A_170 = arith.index_cast %get3A_169 : i32 to index
    %get3A_171 = arith.constant 0 : index
    %get3A_172 = tpu.vector_load %arg6[%get3A_170, %get3A_171] {strides = array<i32>} : memref<32x32xf32, #tpu.memory_space<vmem>>, vector<16xf32>,
    %min3A_173 = arith.minimumf %min3A_163, %get3A_172 : vector<16xf32>
    %get3A_174 = arith.constant 17 : i32
    %get3A_175 = arith.index_cast %get3A_174 : i32 to index
    %get3A_176 = arith.constant 16 : index
    %get3A_177 = tpu.vector_load %arg6[%get3A_175, %get3A_176] {strides = array<i32>} : memref<32x32xf32, #tpu.memory_space<vmem>>, vector<16xf32>,
    %max3A_178 = arith.maximumf %max3A_168, %get3A_177 : vector<16xf32>
    %get3A_179 = arith.constant 18 : i32
    %get3A_180 = arith.index_cast %get3A_179 : i32 to index
    %get3A_181 = arith.constant 0 : index
    %get3A_182 = tpu.vector_load %arg6[%get3A_180, %get3A_181] {strides = array<i32>} : memref<32x32xf32, #tpu.memory_space<vmem>>, vector<16xf32>,
    %min3A_183 = arith.minimumf %min3A_173, %get3A_182 : vector<16xf32>
    %get3A_184 = arith.constant 18 : i32
    %get3A_185 = arith.index_cast %get3A_184 : i32 to index
    %get3A_186 = arith.constant 16 : index
    %get3A_187 = tpu.vector_load %arg6[%get3A_185, %get3A_186] {strides = array<i32>} : memref<32x32xf32, #tpu.memory_space<vmem>>, vector<16xf32>,
    %max3A_188 = arith.maximumf %max3A_178, %get3A_187 : vector<16xf32>
    %get3A_189 = arith.constant 19 : i32
    %get3A_190 = arith.index_cast %get3A_189 : i32 to index
    %get3A_191 = arith.constant 0 : index
    %get3A_192 = tpu.vector_load %arg6[%get3A_190, %get3A_191] {strides = array<i32>} : memref<32x32xf32, #tpu.memory_space<vmem>>, vector<16xf32>,
    %min3A_193 = arith.minimumf %min3A_183, %get3A_192 : vector<16xf32>
    %get3A_194 = arith.constant 19 : i32
    %get3A_195 = arith.index_cast %get3A_194 : i32 to index
    %get3A_196 = arith.constant 16 : index
    %get3A_197 = tpu.vector_load %arg6[%get3A_195, %get3A_196] {strides = array<i32>} : memref<32x32xf32, #tpu.memory_space<vmem>>, vector<16xf32>,
    %max3A_198 = arith.maximumf %max3A_188, %get3A_197 : vector<16xf32>
    %get3A_199 = arith.constant 20 : i32
    %get3A_200 = arith.index_cast %get3A_199 : i32 to index
    %get3A_201 = arith.constant 0 : index
    %get3A_202 = tpu.vector_load %arg6[%get3A_200, %get3A_201] {strides = array<i32>} : memref<32x32xf32, #tpu.memory_space<vmem>>, vector<16xf32>,
    %min3A_203 = arith.minimumf %min3A_193, %get3A_202 : vector<16xf32>
    %get3A_204 = arith.constant 20 : i32
    %get3A_205 = arith.index_cast %get3A_204 : i32 to index
    %get3A_206 = arith.constant 16 : index
    %get3A_207 = tpu.vector_load %arg6[%get3A_205, %get3A_206] {strides = array<i32>} : memref<32x32xf32, #tpu.memory_space<vmem>>, vector<16xf32>,
    %max3A_208 = arith.maximumf %max3A_198, %get3A_207 : vector<16xf32>
    %get3A_209 = arith.constant 21 : i32
    %get3A_210 = arith.index_cast %get3A_209 : i32 to index
    %get3A_211 = arith.constant 0 : index
    %get3A_212 = tpu.vector_load %arg6[%get3A_210, %get3A_211] {strides = array<i32>} : memref<32x32xf32, #tpu.memory_space<vmem>>, vector<16xf32>,
    %min3A_213 = arith.minimumf %min3A_203, %get3A_212 : vector<16xf32>
    %get3A_214 = arith.constant 21 : i32
    %get3A_215 = arith.index_cast %get3A_214 : i32 to index
    %get3A_216 = arith.constant 16 : index
    %get3A_217 = tpu.vector_load %arg6[%get3A_215, %get3A_216] {strides = array<i32>} : memref<32x32xf32, #tpu.memory_space<vmem>>, vector<16xf32>,
    %max3A_218 = arith.maximumf %max3A_208, %get3A_217 : vector<16xf32>
    %get3A_219 = arith.constant 22 : i32
    %get3A_220 = arith.index_cast %get3A_219 : i32 to index
    %get3A_221 = arith.constant 0 : index
    %get3A_222 = tpu.vector_load %arg6[%get3A_220, %get3A_221] {strides = array<i32>} : memref<32x32xf32, #tpu.memory_space<vmem>>, vector<16xf32>,
    %min3A_223 = arith.minimumf %min3A_213, %get3A_222 : vector<16xf32>
    %get3A_224 = arith.constant 22 : i32
    %get3A_225 = arith.index_cast %get3A_224 : i32 to index
    %get3A_226 = arith.constant 16 : index
    %get3A_227 = tpu.vector_load %arg6[%get3A_225, %get3A_226] {strides = array<i32>} : memref<32x32xf32, #tpu.memory_space<vmem>>, vector<16xf32>,
    %max3A_228 = arith.maximumf %max3A_218, %get3A_227 : vector<16xf32>
    %get3A_229 = arith.constant 23 : i32
    %get3A_230 = arith.index_cast %get3A_229 : i32 to index
    %get3A_231 = arith.constant 0 : index
    %get3A_232 = tpu.vector_load %arg6[%get3A_230, %get3A_231] {strides = array<i32>} : memref<32x32xf32, #tpu.memory_space<vmem>>, vector<16xf32>,
    %min3A_233 = arith.minimumf %min3A_223, %get3A_232 : vector<16xf32>
    %get3A_234 = arith.constant 23 : i32
    %get3A_235 = arith.index_cast %get3A_234 : i32 to index
    %get3A_236 = arith.constant 16 : index
    %get3A_237 = tpu.vector_load %arg6[%get3A_235, %get3A_236] {strides = array<i32>} : memref<32x32xf32, #tpu.memory_space<vmem>>, vector<16xf32>,
    %max3A_238 = arith.maximumf %max3A_228, %get3A_237 : vector<16xf32>
    %get3A_239 = arith.constant 24 : i32
    %get3A_240 = arith.index_cast %get3A_239 : i32 to index
    %get3A_241 = arith.constant 0 : index
    %get3A_242 = tpu.vector_load %arg6[%get3A_240, %get3A_241] {strides = array<i32>} : memref<32x32xf32, #tpu.memory_space<vmem>>, vector<16xf32>,
    %min3A_243 = arith.minimumf %min3A_233, %get3A_242 : vector<16xf32>
    %get3A_244 = arith.constant 24 : i32
    %get3A_245 = arith.index_cast %get3A_244 : i32 to index
    %get3A_246 = arith.constant 16 : index
    %get3A_247 = tpu.vector_load %arg6[%get3A_245, %get3A_246] {strides = array<i32>} : memref<32x32xf32, #tpu.memory_space<vmem>>, vector<16xf32>,
    %max3A_248 = arith.maximumf %max3A_238, %get3A_247 : vector<16xf32>
    %get3A_249 = arith.constant 25 : i32
    %get3A_250 = arith.index_cast %get3A_249 : i32 to index
    %get3A_251 = arith.constant 0 : index
    %get3A_252 = tpu.vector_load %arg6[%get3A_250, %get3A_251] {strides = array<i32>} : memref<32x32xf32, #tpu.memory_space<vmem>>, vector<16xf32>,
    %min3A_253 = arith.minimumf %min3A_243, %get3A_252 : vector<16xf32>
    %get3A_254 = arith.constant 25 : i32
    %get3A_255 = arith.index_cast %get3A_254 : i32 to index
    %get3A_256 = arith.constant 16 : index
    %get3A_257 = tpu.vector_load %arg6[%get3A_255, %get3A_256] {strides = array<i32>} : memref<32x32xf32, #tpu.memory_space<vmem>>, vector<16xf32>,
    %max3A_258 = arith.maximumf %max3A_248, %get3A_257 : vector<16xf32>
    %get3A_259 = arith.constant 26 : i32
    %get3A_260 = arith.index_cast %get3A_259 : i32 to index
    %get3A_261 = arith.constant 0 : index
    %get3A_262 = tpu.vector_load %arg6[%get3A_260, %get3A_261] {strides = array<i32>} : memref<32x32xf32, #tpu.memory_space<vmem>>, vector<16xf32>,
    %min3A_263 = arith.minimumf %min3A_253, %get3A_262 : vector<16xf32>
    %get3A_264 = arith.constant 26 : i32
    %get3A_265 = arith.index_cast %get3A_264 : i32 to index
    %get3A_266 = arith.constant 16 : index
    %get3A_267 = tpu.vector_load %arg6[%get3A_265, %get3A_266] {strides = array<i32>} : memref<32x32xf32, #tpu.memory_space<vmem>>, vector<16xf32>,
    %max3A_268 = arith.maximumf %max3A_258, %get3A_267 : vector<16xf32>
    %get3A_269 = arith.constant 27 : i32
    %get3A_270 = arith.index_cast %get3A_269 : i32 to index
    %get3A_271 = arith.constant 0 : index
    %get3A_272 = tpu.vector_load %arg6[%get3A_270, %get3A_271] {strides = array<i32>} : memref<32x32xf32, #tpu.memory_space<vmem>>, vector<16xf32>,
    %min3A_273 = arith.minimumf %min3A_263, %get3A_272 : vector<16xf32>
    %get3A_274 = arith.constant 27 : i32
    %get3A_275 = arith.index_cast %get3A_274 : i32 to index
    %get3A_276 = arith.constant 16 : index
    %get3A_277 = tpu.vector_load %arg6[%get3A_275, %get3A_276] {strides = array<i32>} : memref<32x32xf32, #tpu.memory_space<vmem>>, vector<16xf32>,
    %max3A_278 = arith.maximumf %max3A_268, %get3A_277 : vector<16xf32>
    %get3A_279 = arith.constant 28 : i32
    %get3A_280 = arith.index_cast %get3A_279 : i32 to index
    %get3A_281 = arith.constant 0 : index
    %get3A_282 = tpu.vector_load %arg6[%get3A_280, %get3A_281] {strides = array<i32>} : memref<32x32xf32, #tpu.memory_space<vmem>>, vector<16xf32>,
    %min3A_283 = arith.minimumf %min3A_273, %get3A_282 : vector<16xf32>
    %get3A_284 = arith.constant 28 : i32
    %get3A_285 = arith.index_cast %get3A_284 : i32 to index
    %get3A_286 = arith.constant 16 : index
    %get3A_287 = tpu.vector_load %arg6[%get3A_285, %get3A_286] {strides = array<i32>} : memref<32x32xf32, #tpu.memory_space<vmem>>, vector<16xf32>,
    %max3A_288 = arith.maximumf %max3A_278, %get3A_287 : vector<16xf32>
    %get3A_289 = arith.constant 29 : i32
    %get3A_290 = arith.index_cast %get3A_289 : i32 to index
    %get3A_291 = arith.constant 0 : index
    %get3A_292 = tpu.vector_load %arg6[%get3A_290, %get3A_291] {strides = array<i32>} : memref<32x32xf32, #tpu.memory_space<vmem>>, vector<16xf32>,
    %min3A_293 = arith.minimumf %min3A_283, %get3A_292 : vector<16xf32>
    %get3A_294 = arith.constant 29 : i32
    %get3A_295 = arith.index_cast %get3A_294 : i32 to index
    %get3A_296 = arith.constant 16 : index
    %get3A_297 = tpu.vector_load %arg6[%get3A_295, %get3A_296] {strides = array<i32>} : memref<32x32xf32, #tpu.memory_space<vmem>>, vector<16xf32>,
    %max3A_298 = arith.maximumf %max3A_288, %get3A_297 : vector<16xf32>
    %get3A_299 = arith.constant 30 : i32
    %get3A_300 = arith.index_cast %get3A_299 : i32 to index
    %get3A_301 = arith.constant 0 : index
    %get3A_302 = tpu.vector_load %arg6[%get3A_300, %get3A_301] {strides = array<i32>} : memref<32x32xf32, #tpu.memory_space<vmem>>, vector<16xf32>,
    %min3A_303 = arith.minimumf %min3A_293, %get3A_302 : vector<16xf32>
    %get3A_304 = arith.constant 30 : i32
    %get3A_305 = arith.index_cast %get3A_304 : i32 to index
    %get3A_306 = arith.constant 16 : index
    %get3A_307 = tpu.vector_load %arg6[%get3A_305, %get3A_306] {strides = array<i32>} : memref<32x32xf32, #tpu.memory_space<vmem>>, vector<16xf32>,
    %max3A_308 = arith.maximumf %max3A_298, %get3A_307 : vector<16xf32>
    %get3A_309 = arith.constant 31 : i32
    %get3A_310 = arith.index_cast %get3A_309 : i32 to index
    %get3A_311 = arith.constant 0 : index
    %get3A_312 = tpu.vector_load %arg6[%get3A_310, %get3A_311] {strides = array<i32>} : memref<32x32xf32, #tpu.memory_space<vmem>>, vector<16xf32>,
    %min3A_313 = arith.minimumf %min3A_303, %get3A_312 : vector<16xf32>
    %get3A_314 = arith.constant 31 : i32
    %get3A_315 = arith.index_cast %get3A_314 : i32 to index
    %get3A_316 = arith.constant 16 : index
    %get3A_317 = tpu.vector_load %arg6[%get3A_315, %get3A_316] {strides = array<i32>} : memref<32x32xf32, #tpu.memory_space<vmem>>, vector<16xf32>,
    %max3A_318 = arith.maximumf %max3A_308, %get3A_317 : vector<16xf32>
    %slice3A = vector.extract_strided_slice %min3A_313 {offsets = [0], sizes = [1], strides = [1]} : vector<16xf32> to vector<1xf32>
    %squeeze3A = vector.extract %slice3A[0] : f32 from vector<1xf32>
    %slice3A_319 = vector.extract_strided_slice %max3A_318 {offsets = [0], sizes = [1], strides = [1]} : vector<16xf32> to vector<1xf32>
    %squeeze3A_320 = vector.extract %slice3A_319[0] : f32 from vector<1xf32>
    %slice3A_321 = vector.extract_strided_slice %min3A_313 {offsets = [1], sizes = [1], strides = [1]} : vector<16xf32> to vector<1xf32>
    %squeeze3A_322 = vector.extract %slice3A_321[0] : f32 from vector<1xf32>
    %min3A_323 = arith.minimumf %squeeze3A, %squeeze3A_322 : f32
    %slice3A_324 = vector.extract_strided_slice %max3A_318 {offsets = [1], sizes = [1], strides = [1]} : vector<16xf32> to vector<1xf32>
    %squeeze3A_325 = vector.extract %slice3A_324[0] : f32 from vector<1xf32>
    %max3A_326 = arith.maximumf %squeeze3A_320, %squeeze3A_325 : f32
    %slice3A_327 = vector.extract_strided_slice %min3A_313 {offsets = [2], sizes = [1], strides = [1]} : vector<16xf32> to vector<1xf32>
    %squeeze3A_328 = vector.extract %slice3A_327[0] : f32 from vector<1xf32>
    %min3A_329 = arith.minimumf %min3A_323, %squeeze3A_328 : f32
    %slice3A_330 = vector.extract_strided_slice %max3A_318 {offsets = [2], sizes = [1], strides = [1]} : vector<16xf32> to vector<1xf32>
    %squeeze3A_331 = vector.extract %slice3A_330[0] : f32 from vector<1xf32>
    %max3A_332 = arith.maximumf %max3A_326, %squeeze3A_331 : f32
    %slice3A_333 = vector.extract_strided_slice %min3A_313 {offsets = [3], sizes = [1], strides = [1]} : vector<16xf32> to vector<1xf32>
    %squeeze3A_334 = vector.extract %slice3A_333[0] : f32 from vector<1xf32>
    %min3A_335 = arith.minimumf %min3A_329, %squeeze3A_334 : f32
    %slice3A_336 = vector.extract_strided_slice %max3A_318 {offsets = [3], sizes = [1], strides = [1]} : vector<16xf32> to vector<1xf32>
    %squeeze3A_337 = vector.extract %slice3A_336[0] : f32 from vector<1xf32>
    %max3A_338 = arith.maximumf %max3A_332, %squeeze3A_337 : f32
    %slice3A_339 = vector.extract_strided_slice %min3A_313 {offsets = [4], sizes = [1], strides = [1]} : vector<16xf32> to vector<1xf32>
    %squeeze3A_340 = vector.extract %slice3A_339[0] : f32 from vector<1xf32>
    %min3A_341 = arith.minimumf %min3A_335, %squeeze3A_340 : f32
    %slice3A_342 = vector.extract_strided_slice %max3A_318 {offsets = [4], sizes = [1], strides = [1]} : vector<16xf32> to vector<1xf32>
    %squeeze3A_343 = vector.extract %slice3A_342[0] : f32 from vector<1xf32>
    %max3A_344 = arith.maximumf %max3A_338, %squeeze3A_343 : f32
    %slice3A_345 = vector.extract_strided_slice %min3A_313 {offsets = [5], sizes = [1], strides = [1]} : vector<16xf32> to vector<1xf32>
    %squeeze3A_346 = vector.extract %slice3A_345[0] : f32 from vector<1xf32>
    %min3A_347 = arith.minimumf %min3A_341, %squeeze3A_346 : f32
    %slice3A_348 = vector.extract_strided_slice %max3A_318 {offsets = [5], sizes = [1], strides = [1]} : vector<16xf32> to vector<1xf32>
    %squeeze3A_349 = vector.extract %slice3A_348[0] : f32 from vector<1xf32>
    %max3A_350 = arith.maximumf %max3A_344, %squeeze3A_349 : f32
    %slice3A_351 = vector.extract_strided_slice %min3A_313 {offsets = [6], sizes = [1], strides = [1]} : vector<16xf32> to vector<1xf32>
    %squeeze3A_352 = vector.extract %slice3A_351[0] : f32 from vector<1xf32>
    %min3A_353 = arith.minimumf %min3A_347, %squeeze3A_352 : f32
    %slice3A_354 = vector.extract_strided_slice %max3A_318 {offsets = [6], sizes = [1], strides = [1]} : vector<16xf32> to vector<1xf32>
    %squeeze3A_355 = vector.extract %slice3A_354[0] : f32 from vector<1xf32>
    %max3A_356 = arith.maximumf %max3A_350, %squeeze3A_355 : f32
    %slice3A_357 = vector.extract_strided_slice %min3A_313 {offsets = [7], sizes = [1], strides = [1]} : vector<16xf32> to vector<1xf32>
    %squeeze3A_358 = vector.extract %slice3A_357[0] : f32 from vector<1xf32>
    %min3A_359 = arith.minimumf %min3A_353, %squeeze3A_358 : f32
    %slice3A_360 = vector.extract_strided_slice %max3A_318 {offsets = [7], sizes = [1], strides = [1]} : vector<16xf32> to vector<1xf32>
    %squeeze3A_361 = vector.extract %slice3A_360[0] : f32 from vector<1xf32>
    %max3A_362 = arith.maximumf %max3A_356, %squeeze3A_361 : f32
    %slice3A_363 = vector.extract_strided_slice %min3A_313 {offsets = [8], sizes = [1], strides = [1]} : vector<16xf32> to vector<1xf32>
    %squeeze3A_364 = vector.extract %slice3A_363[0] : f32 from vector<1xf32>
    %min3A_365 = arith.minimumf %min3A_359, %squeeze3A_364 : f32
    %slice3A_366 = vector.extract_strided_slice %max3A_318 {offsets = [8], sizes = [1], strides = [1]} : vector<16xf32> to vector<1xf32>
    %squeeze3A_367 = vector.extract %slice3A_366[0] : f32 from vector<1xf32>
    %max3A_368 = arith.maximumf %max3A_362, %squeeze3A_367 : f32
    %slice3A_369 = vector.extract_strided_slice %min3A_313 {offsets = [9], sizes = [1], strides = [1]} : vector<16xf32> to vector<1xf32>
    %squeeze3A_370 = vector.extract %slice3A_369[0] : f32 from vector<1xf32>
    %min3A_371 = arith.minimumf %min3A_365, %squeeze3A_370 : f32
    %slice3A_372 = vector.extract_strided_slice %max3A_318 {offsets = [9], sizes = [1], strides = [1]} : vector<16xf32> to vector<1xf32>
    %squeeze3A_373 = vector.extract %slice3A_372[0] : f32 from vector<1xf32>
    %max3A_374 = arith.maximumf %max3A_368, %squeeze3A_373 : f32
    %slice3A_375 = vector.extract_strided_slice %min3A_313 {offsets = [10], sizes = [1], strides = [1]} : vector<16xf32> to vector<1xf32>
    %squeeze3A_376 = vector.extract %slice3A_375[0] : f32 from vector<1xf32>
    %min3A_377 = arith.minimumf %min3A_371, %squeeze3A_376 : f32
    %slice3A_378 = vector.extract_strided_slice %max3A_318 {offsets = [10], sizes = [1], strides = [1]} : vector<16xf32> to vector<1xf32>
    %squeeze3A_379 = vector.extract %slice3A_378[0] : f32 from vector<1xf32>
    %max3A_380 = arith.maximumf %max3A_374, %squeeze3A_379 : f32
    %slice3A_381 = vector.extract_strided_slice %min3A_313 {offsets = [11], sizes = [1], strides = [1]} : vector<16xf32> to vector<1xf32>
    %squeeze3A_382 = vector.extract %slice3A_381[0] : f32 from vector<1xf32>
    %min3A_383 = arith.minimumf %min3A_377, %squeeze3A_382 : f32
    %slice3A_384 = vector.extract_strided_slice %max3A_318 {offsets = [11], sizes = [1], strides = [1]} : vector<16xf32> to vector<1xf32>
    %squeeze3A_385 = vector.extract %slice3A_384[0] : f32 from vector<1xf32>
    %max3A_386 = arith.maximumf %max3A_380, %squeeze3A_385 : f32
    %slice3A_387 = vector.extract_strided_slice %min3A_313 {offsets = [12], sizes = [1], strides = [1]} : vector<16xf32> to vector<1xf32>
    %squeeze3A_388 = vector.extract %slice3A_387[0] : f32 from vector<1xf32>
    %min3A_389 = arith.minimumf %min3A_383, %squeeze3A_388 : f32
    %slice3A_390 = vector.extract_strided_slice %max3A_318 {offsets = [12], sizes = [1], strides = [1]} : vector<16xf32> to vector<1xf32>
    %squeeze3A_391 = vector.extract %slice3A_390[0] : f32 from vector<1xf32>
    %max3A_392 = arith.maximumf %max3A_386, %squeeze3A_391 : f32
    %slice3A_393 = vector.extract_strided_slice %min3A_313 {offsets = [13], sizes = [1], strides = [1]} : vector<16xf32> to vector<1xf32>
    %squeeze3A_394 = vector.extract %slice3A_393[0] : f32 from vector<1xf32>
    %min3A_395 = arith.minimumf %min3A_389, %squeeze3A_394 : f32
    %slice3A_396 = vector.extract_strided_slice %max3A_318 {offsets = [13], sizes = [1], strides = [1]} : vector<16xf32> to vector<1xf32>
    %squeeze3A_397 = vector.extract %slice3A_396[0] : f32 from vector<1xf32>
    %max3A_398 = arith.maximumf %max3A_392, %squeeze3A_397 : f32
    %slice3A_399 = vector.extract_strided_slice %min3A_313 {offsets = [14], sizes = [1], strides = [1]} : vector<16xf32> to vector<1xf32>
    %squeeze3A_400 = vector.extract %slice3A_399[0] : f32 from vector<1xf32>
    %min3A_401 = arith.minimumf %min3A_395, %squeeze3A_400 : f32
    %slice3A_402 = vector.extract_strided_slice %max3A_318 {offsets = [14], sizes = [1], strides = [1]} : vector<16xf32> to vector<1xf32>
    %squeeze3A_403 = vector.extract %slice3A_402[0] : f32 from vector<1xf32>
    %max3A_404 = arith.maximumf %max3A_398, %squeeze3A_403 : f32
    %slice3A_405 = vector.extract_strided_slice %min3A_313 {offsets = [15], sizes = [1], strides = [1]} : vector<16xf32> to vector<1xf32>
    %squeeze3A_406 = vector.extract %slice3A_405[0] : f32 from vector<1xf32>
    %min3A_407 = arith.minimumf %min3A_401, %squeeze3A_406 : f32
    %slice3A_408 = vector.extract_strided_slice %max3A_318 {offsets = [15], sizes = [1], strides = [1]} : vector<16xf32> to vector<1xf32>
    %squeeze3A_409 = vector.extract %slice3A_408[0] : f32 from vector<1xf32>
    %max3A_410 = arith.maximumf %max3A_404, %squeeze3A_409 : f32
    %sub3A = arith.subf %max3A_410, %min3A_407 : f32
    %broadcast_in_dim3A = vector.broadcast %sub3A : f32 to vector<16xf32>
    %bitcast_convert_type3A = tpu.bitcast %broadcast_in_dim3A : vector<16xf32> -> vector<16xi32>
    %sub3A_411 = arith.constant 2129859011 : i32
    %sub3A_412 = vector.broadcast %sub3A_411 : i32 to vector<16xi32>
    %sub3A_413 = arith.subi %sub3A_412, %bitcast_convert_type3A : vector<16xi32>
    %bitcast_convert_type3A_414 = tpu.bitcast %sub3A_413 : vector<16xi32> -> vector<16xf32>
    %mul3A_415 = arith.mulf %broadcast_in_dim3A, %bitcast_convert_type3A_414 : vector<16xf32>
    %sub3A_416 = arith.constant 2.000000e+00 : f32
    %sub3A_417 = vector.broadcast %sub3A_416 : f32 to vector<16xf32>
    %sub3A_418 = arith.subf %sub3A_417, %mul3A_415 : vector<16xf32>
    %mul3A_419 = arith.mulf %bitcast_convert_type3A_414, %sub3A_418 : vector<16xf32>
    %mul3A_420 = arith.mulf %broadcast_in_dim3A, %mul3A_419 : vector<16xf32>
    %sub3A_421 = arith.constant 2.000000e+00 : f32
    %sub3A_422 = vector.broadcast %sub3A_421 : f32 to vector<16xf32>
    %sub3A_423 = arith.subf %sub3A_422, %mul3A_420 : vector<16xf32>
    %mul3A_424 = arith.mulf %mul3A_419, %sub3A_423 : vector<16xf32>
    %mul3A_425 = arith.mulf %broadcast_in_dim3A, %mul3A_424 : vector<16xf32>
    %sub3A_426 = arith.constant 2.000000e+00 : f32
    %sub3A_427 = vector.broadcast %sub3A_426 : f32 to vector<16xf32>
    %sub3A_428 = arith.subf %sub3A_427, %mul3A_425 : vector<16xf32>
    %mul3A_429 = arith.mulf %mul3A_424, %sub3A_428 : vector<16xf32>
    %mul3A_430 = arith.constant 1.270000e+02 : f32
    %mul3A_431 = vector.broadcast %mul3A_430 : f32 to vector<16xf32>
    %mul3A_432 = arith.mulf %mul3A_429, %mul3A_431 : vector<16xf32>
    %parallel_loop3A = arith.constant 0 : i32
    %parallel_loop3A_433 = arith.constant 128 : i32
    %parallel_loop3A_434 = arith.constant 1 : i32
    scf.for %parallel_loop3A_834 = %parallel_loop3A to %parallel_loop3A_433 step %parallel_loop3A_434  : i32 {
      %parallel_loop3A_835 = arith.constant 0.000000e+00 : f32
      %parallel_loop3A_836 = vector.broadcast %parallel_loop3A_835 : f32 to vector<16xf32>
      %parallel_loop3A_837 = arith.constant 16 : i32
      %parallel_loop3A_838 = arith.muli %parallel_loop3A_834, %parallel_loop3A_837 : i32
      %parallel_loop3A_839 = arith.index_cast %parallel_loop3A_838 : i32 to index
      %parallel_loop3A_840 = tpu.vector_load %arg7[%parallel_loop3A_839] {strides = array<i32>} : memref<2048xf32, #tpu.memory_space<vmem>>, vector<16xf32>,
      tpu.vector_store %arg7[%parallel_loop3A_839], %parallel_loop3A_836 {strides = array<i32>} : memref<2048xf32, #tpu.memory_space<vmem>>, vector<16xf32>,
    } {sc.loop_unroll_factor = 8 : i64, sc.parallel_access}
    %iota3A = tpu.iota {dimensions = array<i32: 0>} : vector<16xi32>
    %mul3A_435 = arith.constant 128 : i32
    %mul3A_436 = vector.broadcast %mul3A_435 : i32 to vector<16xi32>
    %mul3A_437 = arith.muli %iota3A, %mul3A_436 : vector<16xi32>
    %dma_wait3A = tpu.memref_slice %arg2[%add3A] : memref<524288xf32, #tpu.memory_space<hbm>> -> memref<16384xf32, #tpu.memory_space<hbm>>
    %dma_wait3A_438 = tpu.memref_slice %arg2[%add3A] : memref<524288xf32, #tpu.memory_space<hbm>> -> memref<16384xf32, #tpu.memory_space<hbm>>
    tpu.wait_dma2 semaphore(%arg9 : memref<!tpu.dma_semaphore, #tpu.memory_space<semaphore_mem>>) src(%dma_wait3A_438 : memref<16384xf32, #tpu.memory_space<hbm>>) dst(%arg5 : memref<16384xf32, #tpu.memory_space<vmem>>)
    %parallel_loop3A_439 = arith.constant 0 : i32
    %parallel_loop3A_440 = arith.constant 1024 : i32
    %parallel_loop3A_441 = arith.constant 1 : i32
    %parallel_loop3A_442 = arith.constant 1.270000e+02 : f32
    scf.for %parallel_loop3A_834 = %parallel_loop3A_439 to %parallel_loop3A_440 step %parallel_loop3A_441  : i32 {
      %parallel_loop3A_835 = arith.constant 16 : i32
      %parallel_loop3A_836 = arith.muli %parallel_loop3A_834, %parallel_loop3A_835 : i32
      %parallel_loop3A_837 = arith.index_cast %parallel_loop3A_836 : i32 to index
      %parallel_loop3A_838 = tpu.vector_load %arg5[%parallel_loop3A_837] {strides = array<i32>} : memref<16384xf32, #tpu.memory_space<vmem>>, vector<16xf32>,
      %parallel_loop3A_839 = vector.broadcast %min3A_407 : f32 to vector<16xf32>
      %parallel_loop3A_840 = arith.subf %parallel_loop3A_838, %parallel_loop3A_839 : vector<16xf32>
      %parallel_loop3A_841 = arith.mulf %parallel_loop3A_840, %mul3A_432 : vector<16xf32>
      %parallel_loop3A_842 = vector.broadcast %parallel_loop3A_442 : f32 to vector<16xf32>
      %parallel_loop3A_843 = arith.minimumf %parallel_loop3A_841, %parallel_loop3A_842 : vector<16xf32>
      %parallel_loop3A_844 = arith.fptosi %parallel_loop3A_843 : vector<16xf32> to vector<16xi32>
      %parallel_loop3A_845 = arith.sitofp %parallel_loop3A_844 : vector<16xi32> to vector<16xf32>
      %parallel_loop3A_846 = arith.subf %parallel_loop3A_843, %parallel_loop3A_845 : vector<16xf32>
      %parallel_loop3A_847 = arith.constant 1 : i32
      %parallel_loop3A_848 = vector.broadcast %parallel_loop3A_847 : i32 to vector<16xi32>
      %parallel_loop3A_849 = arith.addi %parallel_loop3A_844, %parallel_loop3A_848 : vector<16xi32>
      %parallel_loop3A_850 = arith.constant 127 : i32
      %parallel_loop3A_851 = vector.broadcast %parallel_loop3A_850 : i32 to vector<16xi32>
      %parallel_loop3A_852 = arith.minsi %parallel_loop3A_849, %parallel_loop3A_851 : vector<16xi32>
      %parallel_loop3A_853 = arith.addi %mul3A_437, %parallel_loop3A_844 : vector<16xi32>
      %parallel_loop3A_854 = arith.constant 1.000000e+00 : f32
      %parallel_loop3A_855 = vector.broadcast %parallel_loop3A_854 : f32 to vector<16xf32>
      %parallel_loop3A_856 = arith.subf %parallel_loop3A_855, %parallel_loop3A_846 : vector<16xf32>
      tpu.vector_store_idx %arg7[%parallel_loop3A_853], %parallel_loop3A_856 {add = true} : memref<2048xf32, #tpu.memory_space<vmem>>[vector<16xi32>], vector<16xf32>,
      %parallel_loop3A_857 = arith.addi %mul3A_437, %parallel_loop3A_852 : vector<16xi32>
      tpu.vector_store_idx %arg7[%parallel_loop3A_857], %parallel_loop3A_846 {add = true} : memref<2048xf32, #tpu.memory_space<vmem>>[vector<16xi32>], vector<16xf32>,
    } {sc.loop_unroll_factor = 8 : i64, sc.parallel_access}
    %get3A_443 = arith.constant 0 : index
    %get3A_444 = tpu.vector_load %arg7[%get3A_443] {strides = array<i32>} : memref<2048xf32, #tpu.memory_space<vmem>>, vector<16xf32>,
    %get3A_445 = arith.constant 128 : index
    %get3A_446 = tpu.vector_load %arg7[%get3A_445] {strides = array<i32>} : memref<2048xf32, #tpu.memory_space<vmem>>, vector<16xf32>,
    %add3A_447 = arith.addf %get3A_444, %get3A_446 : vector<16xf32>
    %get3A_448 = arith.constant 256 : index
    %get3A_449 = tpu.vector_load %arg7[%get3A_448] {strides = array<i32>} : memref<2048xf32, #tpu.memory_space<vmem>>, vector<16xf32>,
    %add3A_450 = arith.addf %add3A_447, %get3A_449 : vector<16xf32>
    %get3A_451 = arith.constant 384 : index
    %get3A_452 = tpu.vector_load %arg7[%get3A_451] {strides = array<i32>} : memref<2048xf32, #tpu.memory_space<vmem>>, vector<16xf32>,
    %add3A_453 = arith.addf %add3A_450, %get3A_452 : vector<16xf32>
    %get3A_454 = arith.constant 512 : index
    %get3A_455 = tpu.vector_load %arg7[%get3A_454] {strides = array<i32>} : memref<2048xf32, #tpu.memory_space<vmem>>, vector<16xf32>,
    %add3A_456 = arith.addf %add3A_453, %get3A_455 : vector<16xf32>
    %get3A_457 = arith.constant 640 : index
    %get3A_458 = tpu.vector_load %arg7[%get3A_457] {strides = array<i32>} : memref<2048xf32, #tpu.memory_space<vmem>>, vector<16xf32>,
    %add3A_459 = arith.addf %add3A_456, %get3A_458 : vector<16xf32>
    %get3A_460 = arith.constant 768 : index
    %get3A_461 = tpu.vector_load %arg7[%get3A_460] {strides = array<i32>} : memref<2048xf32, #tpu.memory_space<vmem>>, vector<16xf32>,
    %add3A_462 = arith.addf %add3A_459, %get3A_461 : vector<16xf32>
    %get3A_463 = arith.constant 896 : index
    %get3A_464 = tpu.vector_load %arg7[%get3A_463] {strides = array<i32>} : memref<2048xf32, #tpu.memory_space<vmem>>, vector<16xf32>,
    %add3A_465 = arith.addf %add3A_462, %get3A_464 : vector<16xf32>
    %get3A_466 = arith.constant 1024 : index
    %get3A_467 = tpu.vector_load %arg7[%get3A_466] {strides = array<i32>} : memref<2048xf32, #tpu.memory_space<vmem>>, vector<16xf32>,
    %add3A_468 = arith.addf %add3A_465, %get3A_467 : vector<16xf32>
    %get3A_469 = arith.constant 1152 : index
    %get3A_470 = tpu.vector_load %arg7[%get3A_469] {strides = array<i32>} : memref<2048xf32, #tpu.memory_space<vmem>>, vector<16xf32>,
    %add3A_471 = arith.addf %add3A_468, %get3A_470 : vector<16xf32>
    %get3A_472 = arith.constant 1280 : index
    %get3A_473 = tpu.vector_load %arg7[%get3A_472] {strides = array<i32>} : memref<2048xf32, #tpu.memory_space<vmem>>, vector<16xf32>,
    %add3A_474 = arith.addf %add3A_471, %get3A_473 : vector<16xf32>
    %get3A_475 = arith.constant 1408 : index
    %get3A_476 = tpu.vector_load %arg7[%get3A_475] {strides = array<i32>} : memref<2048xf32, #tpu.memory_space<vmem>>, vector<16xf32>,
    %add3A_477 = arith.addf %add3A_474, %get3A_476 : vector<16xf32>
    %get3A_478 = arith.constant 1536 : index
    %get3A_479 = tpu.vector_load %arg7[%get3A_478] {strides = array<i32>} : memref<2048xf32, #tpu.memory_space<vmem>>, vector<16xf32>,
    %add3A_480 = arith.addf %add3A_477, %get3A_479 : vector<16xf32>
    %get3A_481 = arith.constant 1664 : index
    %get3A_482 = tpu.vector_load %arg7[%get3A_481] {strides = array<i32>} : memref<2048xf32, #tpu.memory_space<vmem>>, vector<16xf32>,
    %add3A_483 = arith.addf %add3A_480, %get3A_482 : vector<16xf32>
    %get3A_484 = arith.constant 1792 : index
    %get3A_485 = tpu.vector_load %arg7[%get3A_484] {strides = array<i32>} : memref<2048xf32, #tpu.memory_space<vmem>>, vector<16xf32>,
    %add3A_486 = arith.addf %add3A_483, %get3A_485 : vector<16xf32>
    %get3A_487 = arith.constant 1920 : index
    %get3A_488 = tpu.vector_load %arg7[%get3A_487] {strides = array<i32>} : memref<2048xf32, #tpu.memory_space<vmem>>, vector<16xf32>,
    %add3A_489 = arith.addf %add3A_486, %get3A_488 : vector<16xf32>
    %swap3A = arith.constant 0 : index
    %swap3A_490 = tpu.vector_load %arg8[%swap3A] {strides = array<i32>} : memref<128xf32, #tpu.memory_space<vmem>>, vector<16xf32>,
    tpu.vector_store %arg8[%swap3A], %add3A_489 {strides = array<i32>} : memref<128xf32, #tpu.memory_space<vmem>>, vector<16xf32>,
    %get3A_491 = arith.constant 16 : index
    %get3A_492 = tpu.vector_load %arg7[%get3A_491] {strides = array<i32>} : memref<2048xf32, #tpu.memory_space<vmem>>, vector<16xf32>,
    %get3A_493 = arith.constant 144 : index
    %get3A_494 = tpu.vector_load %arg7[%get3A_493] {strides = array<i32>} : memref<2048xf32, #tpu.memory_space<vmem>>, vector<16xf32>,
    %add3A_495 = arith.addf %get3A_492, %get3A_494 : vector<16xf32>
    %get3A_496 = arith.constant 272 : index
    %get3A_497 = tpu.vector_load %arg7[%get3A_496] {strides = array<i32>} : memref<2048xf32, #tpu.memory_space<vmem>>, vector<16xf32>,
    %add3A_498 = arith.addf %add3A_495, %get3A_497 : vector<16xf32>
    %get3A_499 = arith.constant 400 : index
    %get3A_500 = tpu.vector_load %arg7[%get3A_499] {strides = array<i32>} : memref<2048xf32, #tpu.memory_space<vmem>>, vector<16xf32>,
    %add3A_501 = arith.addf %add3A_498, %get3A_500 : vector<16xf32>
    %get3A_502 = arith.constant 528 : index
    %get3A_503 = tpu.vector_load %arg7[%get3A_502] {strides = array<i32>} : memref<2048xf32, #tpu.memory_space<vmem>>, vector<16xf32>,
    %add3A_504 = arith.addf %add3A_501, %get3A_503 : vector<16xf32>
    %get3A_505 = arith.constant 656 : index
    %get3A_506 = tpu.vector_load %arg7[%get3A_505] {strides = array<i32>} : memref<2048xf32, #tpu.memory_space<vmem>>, vector<16xf32>,
    %add3A_507 = arith.addf %add3A_504, %get3A_506 : vector<16xf32>
    %get3A_508 = arith.constant 784 : index
    %get3A_509 = tpu.vector_load %arg7[%get3A_508] {strides = array<i32>} : memref<2048xf32, #tpu.memory_space<vmem>>, vector<16xf32>,
    %add3A_510 = arith.addf %add3A_507, %get3A_509 : vector<16xf32>
    %get3A_511 = arith.constant 912 : index
    %get3A_512 = tpu.vector_load %arg7[%get3A_511] {strides = array<i32>} : memref<2048xf32, #tpu.memory_space<vmem>>, vector<16xf32>,
    %add3A_513 = arith.addf %add3A_510, %get3A_512 : vector<16xf32>
    %get3A_514 = arith.constant 1040 : index
    %get3A_515 = tpu.vector_load %arg7[%get3A_514] {strides = array<i32>} : memref<2048xf32, #tpu.memory_space<vmem>>, vector<16xf32>,
    %add3A_516 = arith.addf %add3A_513, %get3A_515 : vector<16xf32>
    %get3A_517 = arith.constant 1168 : index
    %get3A_518 = tpu.vector_load %arg7[%get3A_517] {strides = array<i32>} : memref<2048xf32, #tpu.memory_space<vmem>>, vector<16xf32>,
    %add3A_519 = arith.addf %add3A_516, %get3A_518 : vector<16xf32>
    %get3A_520 = arith.constant 1296 : index
    %get3A_521 = tpu.vector_load %arg7[%get3A_520] {strides = array<i32>} : memref<2048xf32, #tpu.memory_space<vmem>>, vector<16xf32>,
    %add3A_522 = arith.addf %add3A_519, %get3A_521 : vector<16xf32>
    %get3A_523 = arith.constant 1424 : index
    %get3A_524 = tpu.vector_load %arg7[%get3A_523] {strides = array<i32>} : memref<2048xf32, #tpu.memory_space<vmem>>, vector<16xf32>,
    %add3A_525 = arith.addf %add3A_522, %get3A_524 : vector<16xf32>
    %get3A_526 = arith.constant 1552 : index
    %get3A_527 = tpu.vector_load %arg7[%get3A_526] {strides = array<i32>} : memref<2048xf32, #tpu.memory_space<vmem>>, vector<16xf32>,
    %add3A_528 = arith.addf %add3A_525, %get3A_527 : vector<16xf32>
    %get3A_529 = arith.constant 1680 : index
    %get3A_530 = tpu.vector_load %arg7[%get3A_529] {strides = array<i32>} : memref<2048xf32, #tpu.memory_space<vmem>>, vector<16xf32>,
    %add3A_531 = arith.addf %add3A_528, %get3A_530 : vector<16xf32>
    %get3A_532 = arith.constant 1808 : index
    %get3A_533 = tpu.vector_load %arg7[%get3A_532] {strides = array<i32>} : memref<2048xf32, #tpu.memory_space<vmem>>, vector<16xf32>,
    %add3A_534 = arith.addf %add3A_531, %get3A_533 : vector<16xf32>
    %get3A_535 = arith.constant 1936 : index
    %get3A_536 = tpu.vector_load %arg7[%get3A_535] {strides = array<i32>} : memref<2048xf32, #tpu.memory_space<vmem>>, vector<16xf32>,
    %add3A_537 = arith.addf %add3A_534, %get3A_536 : vector<16xf32>
    %swap3A_538 = arith.constant 16 : index
    %swap3A_539 = tpu.vector_load %arg8[%swap3A_538] {strides = array<i32>} : memref<128xf32, #tpu.memory_space<vmem>>, vector<16xf32>,
    tpu.vector_store %arg8[%swap3A_538], %add3A_537 {strides = array<i32>} : memref<128xf32, #tpu.memory_space<vmem>>, vector<16xf32>,
    %get3A_540 = arith.constant 32 : index
    %get3A_541 = tpu.vector_load %arg7[%get3A_540] {strides = array<i32>} : memref<2048xf32, #tpu.memory_space<vmem>>, vector<16xf32>,
    %get3A_542 = arith.constant 160 : index
    %get3A_543 = tpu.vector_load %arg7[%get3A_542] {strides = array<i32>} : memref<2048xf32, #tpu.memory_space<vmem>>, vector<16xf32>,
    %add3A_544 = arith.addf %get3A_541, %get3A_543 : vector<16xf32>
    %get3A_545 = arith.constant 288 : index
    %get3A_546 = tpu.vector_load %arg7[%get3A_545] {strides = array<i32>} : memref<2048xf32, #tpu.memory_space<vmem>>, vector<16xf32>,
    %add3A_547 = arith.addf %add3A_544, %get3A_546 : vector<16xf32>
    %get3A_548 = arith.constant 416 : index
    %get3A_549 = tpu.vector_load %arg7[%get3A_548] {strides = array<i32>} : memref<2048xf32, #tpu.memory_space<vmem>>, vector<16xf32>,
    %add3A_550 = arith.addf %add3A_547, %get3A_549 : vector<16xf32>
    %get3A_551 = arith.constant 544 : index
    %get3A_552 = tpu.vector_load %arg7[%get3A_551] {strides = array<i32>} : memref<2048xf32, #tpu.memory_space<vmem>>, vector<16xf32>,
    %add3A_553 = arith.addf %add3A_550, %get3A_552 : vector<16xf32>
    %get3A_554 = arith.constant 672 : index
    %get3A_555 = tpu.vector_load %arg7[%get3A_554] {strides = array<i32>} : memref<2048xf32, #tpu.memory_space<vmem>>, vector<16xf32>,
    %add3A_556 = arith.addf %add3A_553, %get3A_555 : vector<16xf32>
    %get3A_557 = arith.constant 800 : index
    %get3A_558 = tpu.vector_load %arg7[%get3A_557] {strides = array<i32>} : memref<2048xf32, #tpu.memory_space<vmem>>, vector<16xf32>,
    %add3A_559 = arith.addf %add3A_556, %get3A_558 : vector<16xf32>
    %get3A_560 = arith.constant 928 : index
    %get3A_561 = tpu.vector_load %arg7[%get3A_560] {strides = array<i32>} : memref<2048xf32, #tpu.memory_space<vmem>>, vector<16xf32>,
    %add3A_562 = arith.addf %add3A_559, %get3A_561 : vector<16xf32>
    %get3A_563 = arith.constant 1056 : index
    %get3A_564 = tpu.vector_load %arg7[%get3A_563] {strides = array<i32>} : memref<2048xf32, #tpu.memory_space<vmem>>, vector<16xf32>,
    %add3A_565 = arith.addf %add3A_562, %get3A_564 : vector<16xf32>
    %get3A_566 = arith.constant 1184 : index
    %get3A_567 = tpu.vector_load %arg7[%get3A_566] {strides = array<i32>} : memref<2048xf32, #tpu.memory_space<vmem>>, vector<16xf32>,
    %add3A_568 = arith.addf %add3A_565, %get3A_567 : vector<16xf32>
    %get3A_569 = arith.constant 1312 : index
    %get3A_570 = tpu.vector_load %arg7[%get3A_569] {strides = array<i32>} : memref<2048xf32, #tpu.memory_space<vmem>>, vector<16xf32>,
    %add3A_571 = arith.addf %add3A_568, %get3A_570 : vector<16xf32>
    %get3A_572 = arith.constant 1440 : index
    %get3A_573 = tpu.vector_load %arg7[%get3A_572] {strides = array<i32>} : memref<2048xf32, #tpu.memory_space<vmem>>, vector<16xf32>,
    %add3A_574 = arith.addf %add3A_571, %get3A_573 : vector<16xf32>
    %get3A_575 = arith.constant 1568 : index
    %get3A_576 = tpu.vector_load %arg7[%get3A_575] {strides = array<i32>} : memref<2048xf32, #tpu.memory_space<vmem>>, vector<16xf32>,
    %add3A_577 = arith.addf %add3A_574, %get3A_576 : vector<16xf32>
    %get3A_578 = arith.constant 1696 : index
    %get3A_579 = tpu.vector_load %arg7[%get3A_578] {strides = array<i32>} : memref<2048xf32, #tpu.memory_space<vmem>>, vector<16xf32>,
    %add3A_580 = arith.addf %add3A_577, %get3A_579 : vector<16xf32>
    %get3A_581 = arith.constant 1824 : index
    %get3A_582 = tpu.vector_load %arg7[%get3A_581] {strides = array<i32>} : memref<2048xf32, #tpu.memory_space<vmem>>, vector<16xf32>,
    %add3A_583 = arith.addf %add3A_580, %get3A_582 : vector<16xf32>
    %get3A_584 = arith.constant 1952 : index
    %get3A_585 = tpu.vector_load %arg7[%get3A_584] {strides = array<i32>} : memref<2048xf32, #tpu.memory_space<vmem>>, vector<16xf32>,
    %add3A_586 = arith.addf %add3A_583, %get3A_585 : vector<16xf32>
    %swap3A_587 = arith.constant 32 : index
    %swap3A_588 = tpu.vector_load %arg8[%swap3A_587] {strides = array<i32>} : memref<128xf32, #tpu.memory_space<vmem>>, vector<16xf32>,
    tpu.vector_store %arg8[%swap3A_587], %add3A_586 {strides = array<i32>} : memref<128xf32, #tpu.memory_space<vmem>>, vector<16xf32>,
    %get3A_589 = arith.constant 48 : index
    %get3A_590 = tpu.vector_load %arg7[%get3A_589] {strides = array<i32>} : memref<2048xf32, #tpu.memory_space<vmem>>, vector<16xf32>,
    %get3A_591 = arith.constant 176 : index
    %get3A_592 = tpu.vector_load %arg7[%get3A_591] {strides = array<i32>} : memref<2048xf32, #tpu.memory_space<vmem>>, vector<16xf32>,
    %add3A_593 = arith.addf %get3A_590, %get3A_592 : vector<16xf32>
    %get3A_594 = arith.constant 304 : index
    %get3A_595 = tpu.vector_load %arg7[%get3A_594] {strides = array<i32>} : memref<2048xf32, #tpu.memory_space<vmem>>, vector<16xf32>,
    %add3A_596 = arith.addf %add3A_593, %get3A_595 : vector<16xf32>
    %get3A_597 = arith.constant 432 : index
    %get3A_598 = tpu.vector_load %arg7[%get3A_597] {strides = array<i32>} : memref<2048xf32, #tpu.memory_space<vmem>>, vector<16xf32>,
    %add3A_599 = arith.addf %add3A_596, %get3A_598 : vector<16xf32>
    %get3A_600 = arith.constant 560 : index
    %get3A_601 = tpu.vector_load %arg7[%get3A_600] {strides = array<i32>} : memref<2048xf32, #tpu.memory_space<vmem>>, vector<16xf32>,
    %add3A_602 = arith.addf %add3A_599, %get3A_601 : vector<16xf32>
    %get3A_603 = arith.constant 688 : index
    %get3A_604 = tpu.vector_load %arg7[%get3A_603] {strides = array<i32>} : memref<2048xf32, #tpu.memory_space<vmem>>, vector<16xf32>,
    %add3A_605 = arith.addf %add3A_602, %get3A_604 : vector<16xf32>
    %get3A_606 = arith.constant 816 : index
    %get3A_607 = tpu.vector_load %arg7[%get3A_606] {strides = array<i32>} : memref<2048xf32, #tpu.memory_space<vmem>>, vector<16xf32>,
    %add3A_608 = arith.addf %add3A_605, %get3A_607 : vector<16xf32>
    %get3A_609 = arith.constant 944 : index
    %get3A_610 = tpu.vector_load %arg7[%get3A_609] {strides = array<i32>} : memref<2048xf32, #tpu.memory_space<vmem>>, vector<16xf32>,
    %add3A_611 = arith.addf %add3A_608, %get3A_610 : vector<16xf32>
    %get3A_612 = arith.constant 1072 : index
    %get3A_613 = tpu.vector_load %arg7[%get3A_612] {strides = array<i32>} : memref<2048xf32, #tpu.memory_space<vmem>>, vector<16xf32>,
    %add3A_614 = arith.addf %add3A_611, %get3A_613 : vector<16xf32>
    %get3A_615 = arith.constant 1200 : index
    %get3A_616 = tpu.vector_load %arg7[%get3A_615] {strides = array<i32>} : memref<2048xf32, #tpu.memory_space<vmem>>, vector<16xf32>,
    %add3A_617 = arith.addf %add3A_614, %get3A_616 : vector<16xf32>
    %get3A_618 = arith.constant 1328 : index
    %get3A_619 = tpu.vector_load %arg7[%get3A_618] {strides = array<i32>} : memref<2048xf32, #tpu.memory_space<vmem>>, vector<16xf32>,
    %add3A_620 = arith.addf %add3A_617, %get3A_619 : vector<16xf32>
    %get3A_621 = arith.constant 1456 : index
    %get3A_622 = tpu.vector_load %arg7[%get3A_621] {strides = array<i32>} : memref<2048xf32, #tpu.memory_space<vmem>>, vector<16xf32>,
    %add3A_623 = arith.addf %add3A_620, %get3A_622 : vector<16xf32>
    %get3A_624 = arith.constant 1584 : index
    %get3A_625 = tpu.vector_load %arg7[%get3A_624] {strides = array<i32>} : memref<2048xf32, #tpu.memory_space<vmem>>, vector<16xf32>,
    %add3A_626 = arith.addf %add3A_623, %get3A_625 : vector<16xf32>
    %get3A_627 = arith.constant 1712 : index
    %get3A_628 = tpu.vector_load %arg7[%get3A_627] {strides = array<i32>} : memref<2048xf32, #tpu.memory_space<vmem>>, vector<16xf32>,
    %add3A_629 = arith.addf %add3A_626, %get3A_628 : vector<16xf32>
    %get3A_630 = arith.constant 1840 : index
    %get3A_631 = tpu.vector_load %arg7[%get3A_630] {strides = array<i32>} : memref<2048xf32, #tpu.memory_space<vmem>>, vector<16xf32>,
    %add3A_632 = arith.addf %add3A_629, %get3A_631 : vector<16xf32>
    %get3A_633 = arith.constant 1968 : index
    %get3A_634 = tpu.vector_load %arg7[%get3A_633] {strides = array<i32>} : memref<2048xf32, #tpu.memory_space<vmem>>, vector<16xf32>,
    %add3A_635 = arith.addf %add3A_632, %get3A_634 : vector<16xf32>
    %swap3A_636 = arith.constant 48 : index
    %swap3A_637 = tpu.vector_load %arg8[%swap3A_636] {strides = array<i32>} : memref<128xf32, #tpu.memory_space<vmem>>, vector<16xf32>,
    tpu.vector_store %arg8[%swap3A_636], %add3A_635 {strides = array<i32>} : memref<128xf32, #tpu.memory_space<vmem>>, vector<16xf32>,
    %get3A_638 = arith.constant 64 : index
    %get3A_639 = tpu.vector_load %arg7[%get3A_638] {strides = array<i32>} : memref<2048xf32, #tpu.memory_space<vmem>>, vector<16xf32>,
    %get3A_640 = arith.constant 192 : index
    %get3A_641 = tpu.vector_load %arg7[%get3A_640] {strides = array<i32>} : memref<2048xf32, #tpu.memory_space<vmem>>, vector<16xf32>,
    %add3A_642 = arith.addf %get3A_639, %get3A_641 : vector<16xf32>
    %get3A_643 = arith.constant 320 : index
    %get3A_644 = tpu.vector_load %arg7[%get3A_643] {strides = array<i32>} : memref<2048xf32, #tpu.memory_space<vmem>>, vector<16xf32>,
    %add3A_645 = arith.addf %add3A_642, %get3A_644 : vector<16xf32>
    %get3A_646 = arith.constant 448 : index
    %get3A_647 = tpu.vector_load %arg7[%get3A_646] {strides = array<i32>} : memref<2048xf32, #tpu.memory_space<vmem>>, vector<16xf32>,
    %add3A_648 = arith.addf %add3A_645, %get3A_647 : vector<16xf32>
    %get3A_649 = arith.constant 576 : index
    %get3A_650 = tpu.vector_load %arg7[%get3A_649] {strides = array<i32>} : memref<2048xf32, #tpu.memory_space<vmem>>, vector<16xf32>,
    %add3A_651 = arith.addf %add3A_648, %get3A_650 : vector<16xf32>
    %get3A_652 = arith.constant 704 : index
    %get3A_653 = tpu.vector_load %arg7[%get3A_652] {strides = array<i32>} : memref<2048xf32, #tpu.memory_space<vmem>>, vector<16xf32>,
    %add3A_654 = arith.addf %add3A_651, %get3A_653 : vector<16xf32>
    %get3A_655 = arith.constant 832 : index
    %get3A_656 = tpu.vector_load %arg7[%get3A_655] {strides = array<i32>} : memref<2048xf32, #tpu.memory_space<vmem>>, vector<16xf32>,
    %add3A_657 = arith.addf %add3A_654, %get3A_656 : vector<16xf32>
    %get3A_658 = arith.constant 960 : index
    %get3A_659 = tpu.vector_load %arg7[%get3A_658] {strides = array<i32>} : memref<2048xf32, #tpu.memory_space<vmem>>, vector<16xf32>,
    %add3A_660 = arith.addf %add3A_657, %get3A_659 : vector<16xf32>
    %get3A_661 = arith.constant 1088 : index
    %get3A_662 = tpu.vector_load %arg7[%get3A_661] {strides = array<i32>} : memref<2048xf32, #tpu.memory_space<vmem>>, vector<16xf32>,
    %add3A_663 = arith.addf %add3A_660, %get3A_662 : vector<16xf32>
    %get3A_664 = arith.constant 1216 : index
    %get3A_665 = tpu.vector_load %arg7[%get3A_664] {strides = array<i32>} : memref<2048xf32, #tpu.memory_space<vmem>>, vector<16xf32>,
    %add3A_666 = arith.addf %add3A_663, %get3A_665 : vector<16xf32>
    %get3A_667 = arith.constant 1344 : index
    %get3A_668 = tpu.vector_load %arg7[%get3A_667] {strides = array<i32>} : memref<2048xf32, #tpu.memory_space<vmem>>, vector<16xf32>,
    %add3A_669 = arith.addf %add3A_666, %get3A_668 : vector<16xf32>
    %get3A_670 = arith.constant 1472 : index
    %get3A_671 = tpu.vector_load %arg7[%get3A_670] {strides = array<i32>} : memref<2048xf32, #tpu.memory_space<vmem>>, vector<16xf32>,
    %add3A_672 = arith.addf %add3A_669, %get3A_671 : vector<16xf32>
    %get3A_673 = arith.constant 1600 : index
    %get3A_674 = tpu.vector_load %arg7[%get3A_673] {strides = array<i32>} : memref<2048xf32, #tpu.memory_space<vmem>>, vector<16xf32>,
    %add3A_675 = arith.addf %add3A_672, %get3A_674 : vector<16xf32>
    %get3A_676 = arith.constant 1728 : index
    %get3A_677 = tpu.vector_load %arg7[%get3A_676] {strides = array<i32>} : memref<2048xf32, #tpu.memory_space<vmem>>, vector<16xf32>,
    %add3A_678 = arith.addf %add3A_675, %get3A_677 : vector<16xf32>
    %get3A_679 = arith.constant 1856 : index
    %get3A_680 = tpu.vector_load %arg7[%get3A_679] {strides = array<i32>} : memref<2048xf32, #tpu.memory_space<vmem>>, vector<16xf32>,
    %add3A_681 = arith.addf %add3A_678, %get3A_680 : vector<16xf32>
    %get3A_682 = arith.constant 1984 : index
    %get3A_683 = tpu.vector_load %arg7[%get3A_682] {strides = array<i32>} : memref<2048xf32, #tpu.memory_space<vmem>>, vector<16xf32>,
    %add3A_684 = arith.addf %add3A_681, %get3A_683 : vector<16xf32>
    %swap3A_685 = arith.constant 64 : index
    %swap3A_686 = tpu.vector_load %arg8[%swap3A_685] {strides = array<i32>} : memref<128xf32, #tpu.memory_space<vmem>>, vector<16xf32>,
    tpu.vector_store %arg8[%swap3A_685], %add3A_684 {strides = array<i32>} : memref<128xf32, #tpu.memory_space<vmem>>, vector<16xf32>,
    %get3A_687 = arith.constant 80 : index
    %get3A_688 = tpu.vector_load %arg7[%get3A_687] {strides = array<i32>} : memref<2048xf32, #tpu.memory_space<vmem>>, vector<16xf32>,
    %get3A_689 = arith.constant 208 : index
    %get3A_690 = tpu.vector_load %arg7[%get3A_689] {strides = array<i32>} : memref<2048xf32, #tpu.memory_space<vmem>>, vector<16xf32>,
    %add3A_691 = arith.addf %get3A_688, %get3A_690 : vector<16xf32>
    %get3A_692 = arith.constant 336 : index
    %get3A_693 = tpu.vector_load %arg7[%get3A_692] {strides = array<i32>} : memref<2048xf32, #tpu.memory_space<vmem>>, vector<16xf32>,
    %add3A_694 = arith.addf %add3A_691, %get3A_693 : vector<16xf32>
    %get3A_695 = arith.constant 464 : index
    %get3A_696 = tpu.vector_load %arg7[%get3A_695] {strides = array<i32>} : memref<2048xf32, #tpu.memory_space<vmem>>, vector<16xf32>,
    %add3A_697 = arith.addf %add3A_694, %get3A_696 : vector<16xf32>
    %get3A_698 = arith.constant 592 : index
    %get3A_699 = tpu.vector_load %arg7[%get3A_698] {strides = array<i32>} : memref<2048xf32, #tpu.memory_space<vmem>>, vector<16xf32>,
    %add3A_700 = arith.addf %add3A_697, %get3A_699 : vector<16xf32>
    %get3A_701 = arith.constant 720 : index
    %get3A_702 = tpu.vector_load %arg7[%get3A_701] {strides = array<i32>} : memref<2048xf32, #tpu.memory_space<vmem>>, vector<16xf32>,
    %add3A_703 = arith.addf %add3A_700, %get3A_702 : vector<16xf32>
    %get3A_704 = arith.constant 848 : index
    %get3A_705 = tpu.vector_load %arg7[%get3A_704] {strides = array<i32>} : memref<2048xf32, #tpu.memory_space<vmem>>, vector<16xf32>,
    %add3A_706 = arith.addf %add3A_703, %get3A_705 : vector<16xf32>
    %get3A_707 = arith.constant 976 : index
    %get3A_708 = tpu.vector_load %arg7[%get3A_707] {strides = array<i32>} : memref<2048xf32, #tpu.memory_space<vmem>>, vector<16xf32>,
    %add3A_709 = arith.addf %add3A_706, %get3A_708 : vector<16xf32>
    %get3A_710 = arith.constant 1104 : index
    %get3A_711 = tpu.vector_load %arg7[%get3A_710] {strides = array<i32>} : memref<2048xf32, #tpu.memory_space<vmem>>, vector<16xf32>,
    %add3A_712 = arith.addf %add3A_709, %get3A_711 : vector<16xf32>
    %get3A_713 = arith.constant 1232 : index
    %get3A_714 = tpu.vector_load %arg7[%get3A_713] {strides = array<i32>} : memref<2048xf32, #tpu.memory_space<vmem>>, vector<16xf32>,
    %add3A_715 = arith.addf %add3A_712, %get3A_714 : vector<16xf32>
    %get3A_716 = arith.constant 1360 : index
    %get3A_717 = tpu.vector_load %arg7[%get3A_716] {strides = array<i32>} : memref<2048xf32, #tpu.memory_space<vmem>>, vector<16xf32>,
    %add3A_718 = arith.addf %add3A_715, %get3A_717 : vector<16xf32>
    %get3A_719 = arith.constant 1488 : index
    %get3A_720 = tpu.vector_load %arg7[%get3A_719] {strides = array<i32>} : memref<2048xf32, #tpu.memory_space<vmem>>, vector<16xf32>,
    %add3A_721 = arith.addf %add3A_718, %get3A_720 : vector<16xf32>
    %get3A_722 = arith.constant 1616 : index
    %get3A_723 = tpu.vector_load %arg7[%get3A_722] {strides = array<i32>} : memref<2048xf32, #tpu.memory_space<vmem>>, vector<16xf32>,
    %add3A_724 = arith.addf %add3A_721, %get3A_723 : vector<16xf32>
    %get3A_725 = arith.constant 1744 : index
    %get3A_726 = tpu.vector_load %arg7[%get3A_725] {strides = array<i32>} : memref<2048xf32, #tpu.memory_space<vmem>>, vector<16xf32>,
    %add3A_727 = arith.addf %add3A_724, %get3A_726 : vector<16xf32>
    %get3A_728 = arith.constant 1872 : index
    %get3A_729 = tpu.vector_load %arg7[%get3A_728] {strides = array<i32>} : memref<2048xf32, #tpu.memory_space<vmem>>, vector<16xf32>,
    %add3A_730 = arith.addf %add3A_727, %get3A_729 : vector<16xf32>
    %get3A_731 = arith.constant 2000 : index
    %get3A_732 = tpu.vector_load %arg7[%get3A_731] {strides = array<i32>} : memref<2048xf32, #tpu.memory_space<vmem>>, vector<16xf32>,
    %add3A_733 = arith.addf %add3A_730, %get3A_732 : vector<16xf32>
    %swap3A_734 = arith.constant 80 : index
    %swap3A_735 = tpu.vector_load %arg8[%swap3A_734] {strides = array<i32>} : memref<128xf32, #tpu.memory_space<vmem>>, vector<16xf32>,
    tpu.vector_store %arg8[%swap3A_734], %add3A_733 {strides = array<i32>} : memref<128xf32, #tpu.memory_space<vmem>>, vector<16xf32>,
    %get3A_736 = arith.constant 96 : index
    %get3A_737 = tpu.vector_load %arg7[%get3A_736] {strides = array<i32>} : memref<2048xf32, #tpu.memory_space<vmem>>, vector<16xf32>,
    %get3A_738 = arith.constant 224 : index
    %get3A_739 = tpu.vector_load %arg7[%get3A_738] {strides = array<i32>} : memref<2048xf32, #tpu.memory_space<vmem>>, vector<16xf32>,
    %add3A_740 = arith.addf %get3A_737, %get3A_739 : vector<16xf32>
    %get3A_741 = arith.constant 352 : index
    %get3A_742 = tpu.vector_load %arg7[%get3A_741] {strides = array<i32>} : memref<2048xf32, #tpu.memory_space<vmem>>, vector<16xf32>,
    %add3A_743 = arith.addf %add3A_740, %get3A_742 : vector<16xf32>
    %get3A_744 = arith.constant 480 : index
    %get3A_745 = tpu.vector_load %arg7[%get3A_744] {strides = array<i32>} : memref<2048xf32, #tpu.memory_space<vmem>>, vector<16xf32>,
    %add3A_746 = arith.addf %add3A_743, %get3A_745 : vector<16xf32>
    %get3A_747 = arith.constant 608 : index
    %get3A_748 = tpu.vector_load %arg7[%get3A_747] {strides = array<i32>} : memref<2048xf32, #tpu.memory_space<vmem>>, vector<16xf32>,
    %add3A_749 = arith.addf %add3A_746, %get3A_748 : vector<16xf32>
    %get3A_750 = arith.constant 736 : index
    %get3A_751 = tpu.vector_load %arg7[%get3A_750] {strides = array<i32>} : memref<2048xf32, #tpu.memory_space<vmem>>, vector<16xf32>,
    %add3A_752 = arith.addf %add3A_749, %get3A_751 : vector<16xf32>
    %get3A_753 = arith.constant 864 : index
    %get3A_754 = tpu.vector_load %arg7[%get3A_753] {strides = array<i32>} : memref<2048xf32, #tpu.memory_space<vmem>>, vector<16xf32>,
    %add3A_755 = arith.addf %add3A_752, %get3A_754 : vector<16xf32>
    %get3A_756 = arith.constant 992 : index
    %get3A_757 = tpu.vector_load %arg7[%get3A_756] {strides = array<i32>} : memref<2048xf32, #tpu.memory_space<vmem>>, vector<16xf32>,
    %add3A_758 = arith.addf %add3A_755, %get3A_757 : vector<16xf32>
    %get3A_759 = arith.constant 1120 : index
    %get3A_760 = tpu.vector_load %arg7[%get3A_759] {strides = array<i32>} : memref<2048xf32, #tpu.memory_space<vmem>>, vector<16xf32>,
    %add3A_761 = arith.addf %add3A_758, %get3A_760 : vector<16xf32>
    %get3A_762 = arith.constant 1248 : index
    %get3A_763 = tpu.vector_load %arg7[%get3A_762] {strides = array<i32>} : memref<2048xf32, #tpu.memory_space<vmem>>, vector<16xf32>,
    %add3A_764 = arith.addf %add3A_761, %get3A_763 : vector<16xf32>
    %get3A_765 = arith.constant 1376 : index
    %get3A_766 = tpu.vector_load %arg7[%get3A_765] {strides = array<i32>} : memref<2048xf32, #tpu.memory_space<vmem>>, vector<16xf32>,
    %add3A_767 = arith.addf %add3A_764, %get3A_766 : vector<16xf32>
    %get3A_768 = arith.constant 1504 : index
    %get3A_769 = tpu.vector_load %arg7[%get3A_768] {strides = array<i32>} : memref<2048xf32, #tpu.memory_space<vmem>>, vector<16xf32>,
    %add3A_770 = arith.addf %add3A_767, %get3A_769 : vector<16xf32>
    %get3A_771 = arith.constant 1632 : index
    %get3A_772 = tpu.vector_load %arg7[%get3A_771] {strides = array<i32>} : memref<2048xf32, #tpu.memory_space<vmem>>, vector<16xf32>,
    %add3A_773 = arith.addf %add3A_770, %get3A_772 : vector<16xf32>
    %get3A_774 = arith.constant 1760 : index
    %get3A_775 = tpu.vector_load %arg7[%get3A_774] {strides = array<i32>} : memref<2048xf32, #tpu.memory_space<vmem>>, vector<16xf32>,
    %add3A_776 = arith.addf %add3A_773, %get3A_775 : vector<16xf32>
    %get3A_777 = arith.constant 1888 : index
    %get3A_778 = tpu.vector_load %arg7[%get3A_777] {strides = array<i32>} : memref<2048xf32, #tpu.memory_space<vmem>>, vector<16xf32>,
    %add3A_779 = arith.addf %add3A_776, %get3A_778 : vector<16xf32>
    %get3A_780 = arith.constant 2016 : index
    %get3A_781 = tpu.vector_load %arg7[%get3A_780] {strides = array<i32>} : memref<2048xf32, #tpu.memory_space<vmem>>, vector<16xf32>,
    %add3A_782 = arith.addf %add3A_779, %get3A_781 : vector<16xf32>
    %swap3A_783 = arith.constant 96 : index
    %swap3A_784 = tpu.vector_load %arg8[%swap3A_783] {strides = array<i32>} : memref<128xf32, #tpu.memory_space<vmem>>, vector<16xf32>,
    tpu.vector_store %arg8[%swap3A_783], %add3A_782 {strides = array<i32>} : memref<128xf32, #tpu.memory_space<vmem>>, vector<16xf32>,
    %get3A_785 = arith.constant 112 : index
    %get3A_786 = tpu.vector_load %arg7[%get3A_785] {strides = array<i32>} : memref<2048xf32, #tpu.memory_space<vmem>>, vector<16xf32>,
    %get3A_787 = arith.constant 240 : index
    %get3A_788 = tpu.vector_load %arg7[%get3A_787] {strides = array<i32>} : memref<2048xf32, #tpu.memory_space<vmem>>, vector<16xf32>,
    %add3A_789 = arith.addf %get3A_786, %get3A_788 : vector<16xf32>
    %get3A_790 = arith.constant 368 : index
    %get3A_791 = tpu.vector_load %arg7[%get3A_790] {strides = array<i32>} : memref<2048xf32, #tpu.memory_space<vmem>>, vector<16xf32>,
    %add3A_792 = arith.addf %add3A_789, %get3A_791 : vector<16xf32>
    %get3A_793 = arith.constant 496 : index
    %get3A_794 = tpu.vector_load %arg7[%get3A_793] {strides = array<i32>} : memref<2048xf32, #tpu.memory_space<vmem>>, vector<16xf32>,
    %add3A_795 = arith.addf %add3A_792, %get3A_794 : vector<16xf32>
    %get3A_796 = arith.constant 624 : index
    %get3A_797 = tpu.vector_load %arg7[%get3A_796] {strides = array<i32>} : memref<2048xf32, #tpu.memory_space<vmem>>, vector<16xf32>,
    %add3A_798 = arith.addf %add3A_795, %get3A_797 : vector<16xf32>
    %get3A_799 = arith.constant 752 : index
    %get3A_800 = tpu.vector_load %arg7[%get3A_799] {strides = array<i32>} : memref<2048xf32, #tpu.memory_space<vmem>>, vector<16xf32>,
    %add3A_801 = arith.addf %add3A_798, %get3A_800 : vector<16xf32>
    %get3A_802 = arith.constant 880 : index
    %get3A_803 = tpu.vector_load %arg7[%get3A_802] {strides = array<i32>} : memref<2048xf32, #tpu.memory_space<vmem>>, vector<16xf32>,
    %add3A_804 = arith.addf %add3A_801, %get3A_803 : vector<16xf32>
    %get3A_805 = arith.constant 1008 : index
    %get3A_806 = tpu.vector_load %arg7[%get3A_805] {strides = array<i32>} : memref<2048xf32, #tpu.memory_space<vmem>>, vector<16xf32>,
    %add3A_807 = arith.addf %add3A_804, %get3A_806 : vector<16xf32>
    %get3A_808 = arith.constant 1136 : index
    %get3A_809 = tpu.vector_load %arg7[%get3A_808] {strides = array<i32>} : memref<2048xf32, #tpu.memory_space<vmem>>, vector<16xf32>,
    %add3A_810 = arith.addf %add3A_807, %get3A_809 : vector<16xf32>
    %get3A_811 = arith.constant 1264 : index
    %get3A_812 = tpu.vector_load %arg7[%get3A_811] {strides = array<i32>} : memref<2048xf32, #tpu.memory_space<vmem>>, vector<16xf32>,
    %add3A_813 = arith.addf %add3A_810, %get3A_812 : vector<16xf32>
    %get3A_814 = arith.constant 1392 : index
    %get3A_815 = tpu.vector_load %arg7[%get3A_814] {strides = array<i32>} : memref<2048xf32, #tpu.memory_space<vmem>>, vector<16xf32>,
    %add3A_816 = arith.addf %add3A_813, %get3A_815 : vector<16xf32>
    %get3A_817 = arith.constant 1520 : index
    %get3A_818 = tpu.vector_load %arg7[%get3A_817] {strides = array<i32>} : memref<2048xf32, #tpu.memory_space<vmem>>, vector<16xf32>,
    %add3A_819 = arith.addf %add3A_816, %get3A_818 : vector<16xf32>
    %get3A_820 = arith.constant 1648 : index
    %get3A_821 = tpu.vector_load %arg7[%get3A_820] {strides = array<i32>} : memref<2048xf32, #tpu.memory_space<vmem>>, vector<16xf32>,
    %add3A_822 = arith.addf %add3A_819, %get3A_821 : vector<16xf32>
    %get3A_823 = arith.constant 1776 : index
    %get3A_824 = tpu.vector_load %arg7[%get3A_823] {strides = array<i32>} : memref<2048xf32, #tpu.memory_space<vmem>>, vector<16xf32>,
    %add3A_825 = arith.addf %add3A_822, %get3A_824 : vector<16xf32>
    %get3A_826 = arith.constant 1904 : index
    %get3A_827 = tpu.vector_load %arg7[%get3A_826] {strides = array<i32>} : memref<2048xf32, #tpu.memory_space<vmem>>, vector<16xf32>,
    %add3A_828 = arith.addf %add3A_825, %get3A_827 : vector<16xf32>
    %get3A_829 = arith.constant 2032 : index
    %get3A_830 = tpu.vector_load %arg7[%get3A_829] {strides = array<i32>} : memref<2048xf32, #tpu.memory_space<vmem>>, vector<16xf32>,
    %add3A_831 = arith.addf %add3A_828, %get3A_830 : vector<16xf32>
    %swap3A_832 = arith.constant 112 : index
    %swap3A_833 = tpu.vector_load %arg8[%swap3A_832] {strides = array<i32>} : memref<128xf32, #tpu.memory_space<vmem>>, vector<16xf32>,
    tpu.vector_store %arg8[%swap3A_832], %add3A_831 {strides = array<i32>} : memref<128xf32, #tpu.memory_space<vmem>>, vector<16xf32>,
    "tpu.region"() ({
      %run_scoped3A = tpu.sem_alloc : memref<!tpu.dma_semaphore, #tpu.memory_space<semaphore_mem>>
      %dma_start3A_834 = arith.constant 0 : i32
      %dma_start3A_835 = tpu.memref_slice %arg4[%arg0, %arg1, %dma_start3A_834] : memref<2x16x128xf32, #tpu.memory_space<hbm>> -> memref<1x1x128xf32, #tpu.memory_space<hbm>>
      %dma_start3A_836 = tpu.memref_squeeze %dma_start3A_835 : memref<1x1x128xf32, #tpu.memory_space<hbm>> -> memref<128xf32, #tpu.memory_space<hbm>>
      %dma_start3A_837 = arith.constant 0 : i32
      %dma_start3A_838 = tpu.memref_slice %arg4[%arg0, %arg1, %dma_start3A_837] : memref<2x16x128xf32, #tpu.memory_space<hbm>> -> memref<1x1x128xf32, #tpu.memory_space<hbm>>
      %dma_start3A_839 = tpu.memref_squeeze %dma_start3A_838 : memref<1x1x128xf32, #tpu.memory_space<hbm>> -> memref<128xf32, #tpu.memory_space<hbm>>
      tpu.enqueue_dma source(%arg8 : memref<128xf32, #tpu.memory_space<vmem>>) target(%dma_start3A_839 : memref<128xf32, #tpu.memory_space<hbm>>) target_semaphore(%run_scoped3A : memref<!tpu.dma_semaphore, #tpu.memory_space<semaphore_mem>>)
      %dma_wait3A_840 = arith.constant 0 : i32
      %dma_wait3A_841 = tpu.memref_slice %arg4[%arg0, %arg1, %dma_wait3A_840] : memref<2x16x128xf32, #tpu.memory_space<hbm>> -> memref<1x1x128xf32, #tpu.memory_space<hbm>>
      %dma_wait3A_842 = tpu.memref_squeeze %dma_wait3A_841 : memref<1x1x128xf32, #tpu.memory_space<hbm>> -> memref<128xf32, #tpu.memory_space<hbm>>
      %dma_wait3A_843 = arith.constant 0 : i32
      %dma_wait3A_844 = tpu.memref_slice %arg4[%arg0, %arg1, %dma_wait3A_843] : memref<2x16x128xf32, #tpu.memory_space<hbm>> -> memref<1x1x128xf32, #tpu.memory_space<hbm>>
      %dma_wait3A_845 = tpu.memref_squeeze %dma_wait3A_844 : memref<1x1x128xf32, #tpu.memory_space<hbm>> -> memref<128xf32, #tpu.memory_space<hbm>>
      tpu.wait_dma2 semaphore(%run_scoped3A : memref<!tpu.dma_semaphore, #tpu.memory_space<semaphore_mem>>) src(%arg8 : memref<128xf32, #tpu.memory_space<vmem>>) dst(%dma_wait3A_845 : memref<128xf32, #tpu.memory_space<hbm>>)
      tpu.yield
    }) : () -> ()
    return
  }
}

#map = affine_map<(d0, d1) -> (0)>
#map1 = affine_map<(d0, d1) -> (0, 0)>
module attributes {stable_mosaic.version = 14 : i64} {
  func.func @body(%arg0: i32, %arg1: i32, %arg2: memref<524288xf32, #tpu.memory_space<hbm>>, %arg3: memref<32x32xf32, #tpu.memory_space<hbm>>, %arg4: memref<16384xf32, #tpu.memory_space<vmem>>, %arg5: memref<32xf32, #tpu.memory_space<vmem>>) attributes {dimension_semantics = [#tpu.dimension_semantics<core_parallel>, #tpu.dimension_semantics<subcore_parallel>], iteration_bounds = array<i64: 2, 16>, scalar_prefetch = 0 : i64, scratch_operands = 2 : i64, tpu.core_type = #tpu.core_type<sc_vector_subcore>, window_params = [{transform_indices = #map}, {transform_indices = #map1}]} {
    %mul3A = arith.constant 262144 : i32
    %mul3A_0 = arith.muli %arg0, %mul3A : i32
    %mul3A_1 = arith.constant 16384 : i32
    %mul3A_2 = arith.muli %arg1, %mul3A_1 : i32
    %add3A = arith.addi %mul3A_0, %mul3A_2 : i32
    "tpu.region"() ({
      %run_scoped3A = tpu.sem_alloc : memref<!tpu.dma_semaphore, #tpu.memory_space<semaphore_mem>>
      %dma_start3A = tpu.memref_slice %arg2[%add3A] : memref<524288xf32, #tpu.memory_space<hbm>> -> memref<16384xf32, #tpu.memory_space<hbm>>
      %dma_start3A_15 = tpu.memref_slice %arg2[%add3A] : memref<524288xf32, #tpu.memory_space<hbm>> -> memref<16384xf32, #tpu.memory_space<hbm>>
      tpu.enqueue_dma source(%dma_start3A_15 : memref<16384xf32, #tpu.memory_space<hbm>>) target(%arg4 : memref<16384xf32, #tpu.memory_space<vmem>>) target_semaphore(%run_scoped3A : memref<!tpu.dma_semaphore, #tpu.memory_space<semaphore_mem>>)
      %dma_wait3A = tpu.memref_slice %arg2[%add3A] : memref<524288xf32, #tpu.memory_space<hbm>> -> memref<16384xf32, #tpu.memory_space<hbm>>
      %dma_wait3A_16 = tpu.memref_slice %arg2[%add3A] : memref<524288xf32, #tpu.memory_space<hbm>> -> memref<16384xf32, #tpu.memory_space<hbm>>
      tpu.wait_dma2 semaphore(%run_scoped3A : memref<!tpu.dma_semaphore, #tpu.memory_space<semaphore_mem>>) src(%dma_wait3A_16 : memref<16384xf32, #tpu.memory_space<hbm>>) dst(%arg4 : memref<16384xf32, #tpu.memory_space<vmem>>)
      tpu.yield
    }) : () -> ()
    %broadcast_in_dim3A = arith.constant 0x7F800000 : f32
    %broadcast_in_dim3A_3 = vector.broadcast %broadcast_in_dim3A : f32 to vector<16xf32>
    %broadcast_in_dim3A_4 = arith.constant 0xFF800000 : f32
    %broadcast_in_dim3A_5 = vector.broadcast %broadcast_in_dim3A_4 : f32 to vector<16xf32>
    %parallel_loop3A = arith.constant 0 : i32
    %parallel_loop3A_6 = arith.constant 1024 : i32
    %parallel_loop3A_7 = arith.constant 1 : i32
    %parallel_loop3A_8:2 = scf.for %parallel_loop3A_15 = %parallel_loop3A to %parallel_loop3A_6 step %parallel_loop3A_7 iter_args(%parallel_loop3A_16 = %broadcast_in_dim3A_3, %parallel_loop3A_17 = %broadcast_in_dim3A_5) -> (vector<16xf32>, vector<16xf32>)  : i32 {
      %parallel_loop3A_18 = arith.constant 16 : i32
      %parallel_loop3A_19 = arith.muli %parallel_loop3A_15, %parallel_loop3A_18 : i32
      %parallel_loop3A_20 = arith.index_cast %parallel_loop3A_19 : i32 to index
      %parallel_loop3A_21 = tpu.vector_load %arg4[%parallel_loop3A_20] {strides = array<i32>} : memref<16384xf32, #tpu.memory_space<vmem>>, vector<16xf32>,
      %parallel_loop3A_22 = arith.minimumf %parallel_loop3A_16, %parallel_loop3A_21 : vector<16xf32>
      %parallel_loop3A_23 = arith.maximumf %parallel_loop3A_17, %parallel_loop3A_21 : vector<16xf32>
      scf.yield %parallel_loop3A_22, %parallel_loop3A_23 : vector<16xf32>, vector<16xf32>
    } {sc.loop_unroll_factor = 8 : i64, sc.parallel_access}
    %swap3A = arith.constant 0 : index
    %swap3A_9 = tpu.vector_load %arg5[%swap3A] {strides = array<i32>} : memref<32xf32, #tpu.memory_space<vmem>>, vector<16xf32>,
    tpu.vector_store %arg5[%swap3A], %parallel_loop3A_8#0 {strides = array<i32>} : memref<32xf32, #tpu.memory_space<vmem>>, vector<16xf32>,
    %swap3A_10 = arith.constant 16 : index
    %swap3A_11 = tpu.vector_load %arg5[%swap3A_10] {strides = array<i32>} : memref<32xf32, #tpu.memory_space<vmem>>, vector<16xf32>,
    tpu.vector_store %arg5[%swap3A_10], %parallel_loop3A_8#1 {strides = array<i32>} : memref<32xf32, #tpu.memory_space<vmem>>, vector<16xf32>,
    %mul3A_12 = arith.constant 16 : i32
    %mul3A_13 = arith.muli %arg0, %mul3A_12 : i32
    %add3A_14 = arith.addi %mul3A_13, %arg1 : i32
    "tpu.region"() ({
      %run_scoped3A = tpu.sem_alloc : memref<!tpu.dma_semaphore, #tpu.memory_space<semaphore_mem>>
      %dma_start3A = arith.constant 0 : i32
      %dma_start3A_15 = tpu.memref_slice %arg3[%add3A_14, %dma_start3A] : memref<32x32xf32, #tpu.memory_space<hbm>> -> memref<1x32xf32, #tpu.memory_space<hbm>>
      %dma_start3A_16 = tpu.memref_squeeze %dma_start3A_15 : memref<1x32xf32, #tpu.memory_space<hbm>> -> memref<32xf32, #tpu.memory_space<hbm>>
      %dma_start3A_17 = arith.constant 0 : i32
      %dma_start3A_18 = tpu.memref_slice %arg3[%add3A_14, %dma_start3A_17] : memref<32x32xf32, #tpu.memory_space<hbm>> -> memref<1x32xf32, #tpu.memory_space<hbm>>
      %dma_start3A_19 = tpu.memref_squeeze %dma_start3A_18 : memref<1x32xf32, #tpu.memory_space<hbm>> -> memref<32xf32, #tpu.memory_space<hbm>>
      tpu.enqueue_dma source(%arg5 : memref<32xf32, #tpu.memory_space<vmem>>) target(%dma_start3A_19 : memref<32xf32, #tpu.memory_space<hbm>>) target_semaphore(%run_scoped3A : memref<!tpu.dma_semaphore, #tpu.memory_space<semaphore_mem>>)
      %dma_wait3A = arith.constant 0 : i32
      %dma_wait3A_20 = tpu.memref_slice %arg3[%add3A_14, %dma_wait3A] : memref<32x32xf32, #tpu.memory_space<hbm>> -> memref<1x32xf32, #tpu.memory_space<hbm>>
      %dma_wait3A_21 = tpu.memref_squeeze %dma_wait3A_20 : memref<1x32xf32, #tpu.memory_space<hbm>> -> memref<32xf32, #tpu.memory_space<hbm>>
      %dma_wait3A_22 = arith.constant 0 : i32
      %dma_wait3A_23 = tpu.memref_slice %arg3[%add3A_14, %dma_wait3A_22] : memref<32x32xf32, #tpu.memory_space<hbm>> -> memref<1x32xf32, #tpu.memory_space<hbm>>
      %dma_wait3A_24 = tpu.memref_squeeze %dma_wait3A_23 : memref<1x32xf32, #tpu.memory_space<hbm>> -> memref<32xf32, #tpu.memory_space<hbm>>
      tpu.wait_dma2 semaphore(%run_scoped3A : memref<!tpu.dma_semaphore, #tpu.memory_space<semaphore_mem>>) src(%arg5 : memref<32xf32, #tpu.memory_space<vmem>>) dst(%dma_wait3A_24 : memref<32xf32, #tpu.memory_space<hbm>>)
      tpu.yield
    }) : () -> ()
    return
  }
}

module attributes {stable_mosaic.version = 14 : i64} {
  func.func @_tc_finish_kernel(%arg0: memref<2x16x128xf32, #tpu.memory_space<vmem>>, %arg1: memref<1x1xf32, #tpu.memory_space<vmem>>) attributes {dimension_semantics = [], scalar_prefetch = 0 : i64, scratch_operands = 0 : i64, tpu.core_type = #tpu.core_type<tc>} {
    %get3A = arith.constant 0 : index
    %get3A_0 = arith.constant 0 : index
    %get3A_1 = arith.constant 0 : index
    %get3A_2 = vector.load %arg0[%get3A, %get3A_0, %get3A_1] : memref<2x16x128xf32, #tpu.memory_space<vmem>>, vector<2x16x128xf32>
    %slice3A = vector.extract_strided_slice %get3A_2 {offsets = [0, 0, 0], sizes = [1, 16, 128], strides = [1, 1, 1]} : vector<2x16x128xf32> to vector<1x16x128xf32>
    %squeeze3A = vector.shape_cast %slice3A : vector<1x16x128xf32> to vector<16x128xf32>
    %reduce_sum3A = arith.constant dense<0.000000e+00> : vector<128xf32>
    %reduce_sum3A_3 = vector.multi_reduction <add>, %squeeze3A, %reduce_sum3A [0] : vector<16x128xf32> to vector<128xf32>
    %broadcast_in_dim3A = vector.shape_cast %reduce_sum3A_3 : vector<128xf32> to vector<1x128xf32>
    %slice3A_4 = vector.extract_strided_slice %get3A_2 {offsets = [1, 0, 0], sizes = [1, 16, 128], strides = [1, 1, 1]} : vector<2x16x128xf32> to vector<1x16x128xf32>
    %squeeze3A_5 = vector.shape_cast %slice3A_4 : vector<1x16x128xf32> to vector<16x128xf32>
    %reduce_sum3A_6 = arith.constant dense<0.000000e+00> : vector<128xf32>
    %reduce_sum3A_7 = vector.multi_reduction <add>, %squeeze3A_5, %reduce_sum3A_6 [0] : vector<16x128xf32> to vector<128xf32>
    %broadcast_in_dim3A_8 = vector.shape_cast %reduce_sum3A_7 : vector<128xf32> to vector<1x128xf32>
    %iota3A = tpu.iota {dimensions = array<i32: 0>} : vector<128x128xi32>
    %iota3A_9 = tpu.iota {dimensions = array<i32: 1>} : vector<128x128xi32>
    %le3A = arith.cmpi sle, %iota3A, %iota3A_9 : vector<128x128xi32>
    %convert_element_type3A = arith.extui %le3A : vector<128x128xi1> to vector<128x128xi32>
    %convert_element_type3A_10 = arith.sitofp %convert_element_type3A : vector<128x128xi32> to vector<128x128xf32>
    %dot_general3A = arith.constant dense<0.000000e+00> : vector<1x128xf32>
    %dot_general3A_11 = tpu.matmul %broadcast_in_dim3A, %convert_element_type3A_10, %dot_general3A {dimension_numbers = #tpu.dot_dimension_numbers<[1], [0], [0], [1], [0, 0, 1, 1], [], []>, transpose_lhs_hint = false} : vector<1x128xf32>, vector<128x128xf32>, vector<1x128xf32> -> vector<1x128xf32>
    %mul3A = arith.mulf %broadcast_in_dim3A_8, %dot_general3A_11 : vector<1x128xf32>
    %reduce_sum3A_12 = vector.shape_cast %mul3A : vector<1x128xf32> to vector<1x1x128xf32>
    %reduce_sum3A_13 = arith.constant dense<0.000000e+00> : vector<1xf32>
    %reduce_sum3A_14 = vector.multi_reduction <add>, %reduce_sum3A_12, %reduce_sum3A_13 [1, 2] : vector<1x1x128xf32> to vector<1xf32>
    %reduce_sum3A_15 = vector.shape_cast %reduce_sum3A_14 : vector<1xf32> to vector<1x1x1xf32>
    %reduce_sum3A_16 = vector.extract %reduce_sum3A_15[0, 0, 0] : f32 from vector<1x1x1xf32>
    %broadcast_in_dim3A_17 = vector.broadcast %reduce_sum3A_16 : f32 to vector<1x1xf32>
    %mul3A_18 = arith.constant 1.45519152E-11 : f32
    %mul3A_19 = vector.broadcast %mul3A_18 : f32 to vector<1x1xf32>
    %mul3A_20 = arith.mulf %broadcast_in_dim3A_17, %mul3A_19 : vector<1x1xf32>
    %swap3A = arith.constant 0 : index
    %swap3A_21 = arith.constant 0 : index
    %swap3A_22 = vector.load %arg1[%swap3A, %swap3A_21] : memref<1x1xf32, #tpu.memory_space<vmem>>, vector<1x1xf32>
    tpu.vector_store %arg1[%swap3A, %swap3A_21], %mul3A_20 {strides = array<i32>} : memref<1x1xf32, #tpu.memory_space<vmem>>, vector<1x1xf32>,
    return
  }
}

</mosaic_0001>

<sc_bundles>
// kernel: kernel.5.cloned.1.call-start
scs
__scs_entry_jumppad:
0x0: {  	(pc) =	sbr.rel $0x88, $3  }
0x1: {  	(tag) =	ssettag $0x0;
	lr =	simm.s32 $0x1  }
0x2: {  	[smem:$0x3F9F] =	sst lr;
	_ =	strace $0xD0000000  }
0x3: {  	_ = 	snop  }
0x4: {  	_ = 	snop  }
0x5: {  	_ = 	snop  }
0x6: {  	_ = 	snop  }
0x7: {  	_ = 	snop  }
__scs_overlays_trampoline_lowered:
0x8: {  	[smem:$0x3FAE] =	sst s0  }
0x9: {  	[smem:$0x3FAF] =	sst s1  }
0xa: {  	[smem:$0x3FB0] =	sst s2  }
0xb: {  	[smem:$0x3FB1] =	sst s3  }
0xc: {  	[smem:$0x3FB2] =	sst s4  }
0xd: {  	[smem:$0x3FB3] =	sst s5  }
0xe: {  	[smem:$0x3FB4] =	sst s6  }
0xf: {  	[smem:$0x3FB5] =	sst s7  }
0x10: {  	[smem:$0x3FB6] =	sst s8  }
0x11: {  	[smem:$0x3FB7] =	sst s9;
	s0 =	simm.s32 @!p0 $0x0  }
0x12: {  	s1 =	sld [smem:$0x3F9D];
	s0 =	simm.s32 @p0 $0x1  }
0x13: {  	[smem:$0x3FB8] =	sst s0;
	s0 =	simm.s32 @!p1 $0x0  }
0x14: {  	s2 =	sld [smem:$0x3F9C];
	s0 =	simm.s32 @p1 $0x1  }
0x15: {  	[smem:$0x3FB9] =	sst s0;
	s0 =	simm.s32 @!p2 $0x0  }
0x16: {  	s3 =	sld [smem:$0x3FDB];
	s0 =	simm.s32 @p2 $0x1  }
0x17: {  	s4 =	simm.s32 $0x1BF5;
	[smem:$0x3FBB] =	sst s0  }
0x18: {  	s0 =	sld [smem:$0x3F9E];
	_ =	swait.ge [sflag:s4], $0x0  }
0x19: {  	s7 =	sld [smem:$0x3F9F]  }
0x1a: {  	s8 =	sadd.s32 $0xFFFFE003, lr  }
0x1b: {  	s9 =	sadd.s32 $0xFFFFFEF7, lr;
	s5 =	simm.s32 $0xFFFFFFFF;
	p2 =	slt.u32 s8, $0xFFFFF086  }
0x1c: {  	p1 =	slt.u32 s9, $0xF7A;
	s5 =	simm.s32 @!p2 $0x0  }
0x1d: {  	s5 =	simm.s32 @p1 $0x1;
	p0 =	seq.s32 s7, s2  }
0x1e: {  	s7 =	smul.u32 @!p0 $0xF7A, s2;
	p2 =	seq.s32 @!p0 s5, $0x0  }
0x1f: {  	s9 =	smul.u32 $0xF7A, s1;
	s8 =	simm.s32 @!p0 $0x1BF5;
	p2 =	por !p2, p0  }
0x20: {  	[sflag:s8] =	ssyncset.s32 @!p0 $0xFFFFF086;
	s6 =	sadd.s32 @!p0 s3, s7;
	s7 =	simm.s32 @!p0 $0x108  }
0x21: {  	s3 =	sadd.s32 s3, s9;
	s6 =	sadd.s32 @!p0 $0x88, s6;
	s7 =	simm.s32 @p2 $0x1082  }
0x22: {  	[simem:s7], [sflag:s8] =	dma.local @!p0 [hbm:s6], $0xF7A  }
0x23: {  	s9 =	sor.u32 $0xD0000000, s2;
	s6 =	simm.s32 $0x108;
	_ =	swait.ge @!p0 [sflag:s8], $0x0  }
0x24: {  	s3 =	sadd.s32 $0x88, s3;
	s6 =	simm.s32 @!p1 $0x1082;
	[sflag:s4] =	ssyncset.s32 $0xFFFFF086  }
0x25: {  	[simem:s6], [sflag:s4] =	dma.local [hbm:s3], $0xF7A  }
0x26: {  	[smem:$0x3F9F] =	sst s1;
	(tag) =	ssettag s2;
	_ =	strace s9  }
0x27: {  	s1 =	sld [smem:$0x3FAF]  }
0x28: {  	s2 =	sld [smem:$0x3FB0]  }
0x29: {  	s4 =	sld [smem:$0x3FB2]  }
0x2a: {  	p0 =	seq.s32 s5, $0x0;
	s5 =	sld [smem:$0x3FB3]  }
0x2b: {  	s6 =	sld [smem:$0x3FB4]  }
0x2c: {  	s7 =	sld [smem:$0x3FB5]  }
0x2d: {  	s3 =	simm.s32 $0x108;
	s8 =	sld [smem:$0x3FB6]  }
0x2e: {  	s3 =	simm.s32 @!p0 $0x1082;
	s9 =	sld [smem:$0x3FB7]  }
0x2f: {  	lr =	sadd.s32 s0, s3;
	s0 =	sld [smem:$0x3FAE]  }
0x30: {  	s3 =	sld [smem:$0x3FB1]  }
0x31: {  	[smem:$0x3FBA] =	sst s10  }
0x32: {  	s10 =	sld [smem:$0x3FB8];
	_ =	sdelay $0x3  }
0x33: {  	p0 =	seq.s32 s10, $0x1;
	s10 =	sld [smem:$0x3FBA];
	_ =	sdelay $0x3  }
0x34: {  	[smem:$0x3FBA] =	sst s10  }
0x35: {  	s10 =	sld [smem:$0x3FB9];
	_ =	sdelay $0x3  }
0x36: {  	p1 =	seq.s32 s10, $0x1;
	s10 =	sld [smem:$0x3FBA];
	_ =	sdelay $0x3  }
0x37: {  	[smem:$0x3FBA] =	sst s10  }
0x38: {  	s10 =	sld [smem:$0x3FBB]  }
0x39: {  	_ = 	snop;
	(pc) =	sbr.ind lr, $3  }
0x3a: {  	_ = 	snop  }
0x3b: {  	_ = 	snop  }
0x3c: {  	p2 =	seq.s32 s10, $0x1;
	s10 =	sld [smem:$0x3FBA]  }
0x3d: {  	_ =	shalt  }
0x3e: {  	_ =	shalt  }
0x3f: {  	_ =	shalt  }
0x40: {  	_ =	shalt  }
0x41: {  	_ =	shalt  }
0x42: {  	_ =	shalt  }
0x43: {  	_ =	shalt  }
0x44: {  	_ =	shalt  }
0x45: {  	_ =	shalt  }
0x46: {  	_ =	shalt  }
0x47: {  	_ =	shalt  }
0x48: {  	_ =	shalt  }
0x49: {  	_ =	shalt  }
0x4a: {  	_ =	shalt  }
0x4b: {  	_ =	shalt  }
0x4c: {  	_ =	shalt  }
0x4d: {  	_ =	shalt  }
0x4e: {  	_ =	shalt  }
0x4f: {  	_ =	shalt  }
0x50: {  	_ =	shalt  }
0x51: {  	_ =	shalt  }
0x52: {  	_ =	shalt  }
0x53: {  	_ =	shalt  }
0x54: {  	_ =	shalt  }
0x55: {  	_ =	shalt  }
0x56: {  	_ =	shalt  }
0x57: {  	_ =	shalt  }
0x58: {  	_ =	shalt  }
0x59: {  	_ =	shalt  }
0x5a: {  	_ =	shalt  }
0x5b: {  	_ =	shalt  }
0x5c: {  	_ =	shalt  }
0x5d: {  	_ =	shalt  }
0x5e: {  	_ =	shalt  }
0x5f: {  	_ =	shalt  }
0x60: {  	_ =	shalt  }
0x61: {  	_ =	shalt  }
0x62: {  	_ =	shalt  }
0x63: {  	_ =	shalt  }
0x64: {  	_ =	shalt  }
0x65: {  	_ =	shalt  }
0x66: {  	_ =	shalt  }
0x67: {  	_ =	shalt  }
0x68: {  	_ =	shalt  }
0x69: {  	_ =	shalt  }
0x6a: {  	_ =	shalt  }
0x6b: {  	_ =	shalt  }
0x6c: {  	_ =	shalt  }
0x6d: {  	_ =	shalt  }
0x6e: {  	_ =	shalt  }
0x6f: {  	_ =	shalt  }
0x70: {  	_ =	shalt  }
0x71: {  	_ =	shalt  }
0x72: {  	_ =	shalt  }
0x73: {  	_ =	shalt  }
0x74: {  	_ =	shalt  }
0x75: {  	_ =	shalt  }
0x76: {  	_ =	shalt  }
0x77: {  	_ =	shalt  }
0x78: {  	_ =	shalt  }
0x79: {  	_ =	shalt  }
0x7a: {  	_ =	shalt  }
0x7b: {  	_ =	shalt  }
0x7c: {  	_ =	shalt  }
0x7d: {  	_ =	shalt  }
0x7e: {  	_ =	shalt  }
0x7f: {  	_ =	shalt  }
0x80: {  	_ =	shalt  }
0x81: {  	_ =	shalt  }
0x82: {  	_ =	shalt  }
0x83: {  	_ =	shalt  }
0x84: {  	_ =	shalt  }
0x85: {  	_ =	shalt  }
0x86: {  	_ =	shalt  }
0x87: {  	_ =	shalt  }
.Lfunc_end0:
.L_simem_size_0:
called_computation_lowered:
.L_overlay_start_0:
0x88: {  	s2 =	sld [smem:$0x3FD9]  }
0x89: {  	s3 =	sld [smem:$0x3FFE];
	_ =	sdelay $0x1  }
0x8a: {  	s1 =	srdreg.scid  }
0x8b: {  	s0 =	sand.u32 $0x1, s1  }
0x8c: {  	s16 =	sshll.u32 s0, $0xA;
	s2 =	sadd.s32 s3, s2  }
0x8d: {  	s2 =	sadd.s32 s2, s16  }
0x8e: {  	[smem:$0x3FC6] =	sst s2  }
0x8f: {  	_ = 	snop  }
0x90: {  	(tm) =	ssettm $0x1  }
0x91: {  	s17 =	sld [smem:$0x3FFB];
	_ =	sdelay $0x3  }
0x92: {  	_ =	strace s17  }
0x93: {  	s2 =	sld [smem:$0x3FFC];
	_ =	sdelay $0x3  }
0x94: {  	_ =	strace s2  }
0x95: {  	s2 =	sld [smem:$0x3FFD];
	_ =	sdelay $0x3  }
0x96: {  	_ =	strace s2  }
0x97: {  	_ =	strace $0x8FFFFFFF  }
0x98: {  	s18 =	sld [smem:$0x3FDB];
	_ =	sdelay $0x1  }
0x99: {  	s19 =	simm.s32 $_scs_section_size  }
0x9a: {  	s4 =	simm.s32 $_size__tile_overlayer_lowered;
	s5 =	simm.s32 $_tile_overlayer_lowered  }
0x9b: {  	s22 =	simm.s32 $0x1BFF;
	s21 =	sshll.u32 s5, $0x1;
	s2 =	sadd.s32 s19, s18  }
0x9c: {  	s6 =	simm.s32 $0x0;
	s20 =	sshll.u32 s4, $0x1;
	s4 =	sadd.s32 s21, s2  }
0x9d: {  	[timem:s6], [sflag:s22] =	dma.local [hbm:s4], s20  }
0x9e: {  	_ =	swait.ge [sflag:s22], s20  }
0x9f: {  	s3 =	ssub.s32 $0x0, s20;
	[sflag:s22] =	ssyncset.done $0x0  }
0xa0: {  	[sflag:s22] =	ssyncadd.s32 s3;
	_ =	sdelay $0x1  }
0xa1: {  	s23 =	simm.s32 $0x1B8B  }
0xa2: {  	_ =	swait.ge [sflag:s23], $0x1  }
0xa3: {  	[sflag:s23] =	ssyncset.done $0x0  }
0xa4: {  	s25 =	simm.s32 $0x1B8E;
	s24 =	sld [smem:$0x3FFE];
	[sflag:s23] =	ssyncadd.s32 $0xFFFFFFFF  }
0xa5: {  	s26 =	simm.s32 $execute0_lowered;
	[smem:$0x3FD2] =	sst s25  }
0xa6: {  	s4 =	sshll.u32 s26, $0x1;
	_ =	strace $0x80000046;
	[dreg:$0x1] =	wrdreg $0xFFFFFFFF  }
0xa7: {  	s28 =	simm.s32 $_size_execute0_lowered;
	s2 =	sadd.s32 s2, s4;
	[dreg:$0x0] =	wrdreg $0x0  }
0xa8: {  	s4 =	sshll.u32 s28, $0x1;
	[dreg:$0x2] =	wrdreg s2  }
0xa9: {  	[dreg:$0x3] =	wrdreg s4  }
0xaa: {  	[dreg:$0x4] =	wrdreg $0xC0  }
0xab: {  	_ =	task [dreg:s6], $0x5FFFF  }
0xac: {  	[dreg:$0x1] =	wrdreg $0xFFFFFFFF  }
0xad: {  	[dreg:$0x0] =	wrdreg $0x60  }
0xae: {  	[dreg:$0x2] =	wrdreg s24  }
0xaf: {  	[dreg:$0x3] =	wrdreg $0x9  }
0xb0: {  	_ =	task.clear_ibuf [dreg:s6], $0x4FFFF;
	_ =	strace $0x90000046  }
0xb1: {  	s29 =	simm.s32 $0x9;
	_ =	strace $0x80000048  }
0xb2: {  	_ =	swait.ge [sflag:s29], $0x1  }
0xb3: {  	[sflag:s29] =	ssyncadd.s32 $0xFFFFFFFF  }
0xb4: {  	_ =	strace $0x90000048  }
0xb5: {  	_ =	sfence  }
0xb6: {  	s30 =	sld [smem:$0x0];
	_ =	sdelay $0x2  }
0xb7: {  	s31 =	sshll.u32 s1, $0xD;
	s1 =	sshrl.u32 s1, $0x2  }
0xb8: {  	s3 =	sand.u32 $0x4000, s31;
	s1 =	sadd.s32 s1, s30  }
0xb9: {  	s0 =	sor.u32 s3, s0;
	s1 =	sshll.u32 s1, $0x11  }
0xba: {  	s0 =	sor.u32 s1, s0  }
0xbb: {  	s0 =	sadd.s32 $0x8F2B, s0  }
0xbc: {  	[sflag:s0] =	ssyncadd.remote.s32 $0x1  }
0xbd: {  	_ =	sfence.sel $0xFFFF  }
0xbe: {  	[dreg:$0x0] =	wrdreg $0xFFFFFFFF;
	(pc) =	sbr.abs _section_cstart, $3  }
0xbf: {  	[dreg:$0x1] =	wrdreg $0xFFFFFFFF  }
0xc0: {  	_ =	task.clear_ibuf [dreg:s6], $0x2FFFF;
	_ =	strace $0x9FFFFFFF  }
0xc1: {  	(tm) =	ssettm $0x7FFFFFFF  }
tec
execute0_lowered:
.L_overlay_start_1:
0x0: {  	(tag) =	ssettag $0x1  }
0x1: {  	s3 =	rddreg [dreg:$0x0]  }
0x2: {  	s0 =	rddreg [dreg:$0x1];
	s2 =	simm.s32 $0x0;
	s1 =	stileid.u32  }
0x3: {  	s4 =	srdreg.scid;
	[smem:$0x7FF] =	sst s2;
	s5 =	sshll.u32 s1, $0xB  }
0x4: {  	s6 =	sshll.u32 s1, $0x4;
	s4 =	sand.u32 $0x1, s4;
	_ =	strace $0x80000047  }
0x5: {  	s5 =	sadd.s32 s5, s3;
	s3 =	sadd.s32 s6, s3;
	s31 =	ssub.s32 $0x2, s4  }
0x6: {  	s8 =	sshll.u32 s4, $0xF;
	s4 =	sshll.u32 s4, $0x8;
	s7 =	sshrl.u32 s31, $0x1  }
0x7: {  	s5 =	sadd.s32 s8, s5;
	s4 =	sadd.s32 s4, s3;
	s8 =	simm.s32 $0x0  }
0x8: {  	s6 =	ssub.s32 s31, s7;
	s3 =	sadd.s32 $0xE00, s5;
	s4 =	sadd.s32 $0x10E00, s4  }
0x9: {  	s7 =	simm.s32 $0x4000;
	s5 =	smax.u32 s6, $0x1;
	s6 =	simm.s32 $0x1  }
.LBB2_1:
0xa: {  	[tilespmem:s2], [sflag:$0x1] =	stream.linear.gather [hbm4b:s3+s2], $0x4000, $0x38;
	[tilespmem:$0x4080] =	vst v63  }
0xb: {  	_ =	swait.ge [sflag:s6], $0x4000  }
0xc: {  	[sflag:s6] =	ssyncset.done $0x0  }
0xd: {  	s10 =	simm.s32 $0x40;
	[sflag:s6] =	ssyncadd.s32 $0xFFFFC000  }
0xe: {  	v2 =	vld [tilespmem:s10+$0xFFFFFFC0]  }
0xf: {  	v3 =	vld [tilespmem:s10+$0xFFFFFFD0]  }
0x10: {  	v4 =	vld [tilespmem:s10+$0xFFFFFFE0]  }
0x11: {  	v0 =	vld [tilespmem:s10+$0xFFFFFFF0]  }
0x12: {  	v5 =	vimm.f32 $+Inf;
	v6 =	vimm.f32 $-Inf;
	v1 =	vld [tilespmem:s10+$0x0]  }
0x13: {  	v5 =	vmin.f32 v5, v2;
	v6 =	vmax.f32 v6, v2;
	v2 =	vld [tilespmem:s10+$0x10]  }
0x14: {  	v5 =	vmin.f32 v5, v3;
	v6 =	vmax.f32 v6, v3;
	v3 =	vld [tilespmem:s10+$0x20]  }
0x15: {  	s9 =	simm.s32 $0x0;
	v5 =	vmin.f32 v5, v4;
	v6 =	vmax.f32 v6, v4;
	v4 =	vld [tilespmem:s10+$0x30];
	s10 =	simm.s32 $0xC0  }
.LBB2_2:
0x16: {  	v7 =	vld [tilespmem:s10+$0xFFFFFFC0];
	s9 =	sadd.s32 $0x8, s9;
	v5 =	vmin.f32 v5, v0;
	v0 =	vmax.f32 v6, v0  }
0x17: {  	v6 =	vld [tilespmem:s10+$0xFFFFFFD0];
	p0 =	slt.u32 s9, $0x3F8;
	v5 =	vmin.f32 v5, v1;
	v0 =	vmax.f32 v0, v1  }
0x18: {  	v8 =	vld [tilespmem:s10+$0xFFFFFFE0];
	v1 =	vmin.f32 v5, v2;
	v2 =	vmax.f32 v0, v2  }
.Ltmp0:
0x19: {  	v0 =	vld [tilespmem:s10+$0xFFFFFFF0];
	v5 =	vmin.f32 v1, v3;
	v2 =	vmax.f32 v2, v3;
	(pc) =	sbr.rel @p0 .LBB2_2-.Ltmp0, $4  }
0x1a: {  	v1 =	vld [tilespmem:s10+$0x0];
	v3 =	vmin.f32 v5, v4;
	v2 =	vmax.f32 v2, v4  }
0x1b: {  	v3 =	vmin.f32 v3, v7;
	v4 =	vmax.f32 v2, v7;
	v2 =	vld [tilespmem:s10+$0x10]  }
0x1c: {  	v5 =	vmin.f32 v3, v6;
	v4 =	vmax.f32 v4, v6;
	v3 =	vld [tilespmem:s10+$0x20]  }
0x1d: {  	v5 =	vmin.f32 v5, v8;
	v6 =	vmax.f32 v4, v8;
	v4 =	vld [tilespmem:s10+$0x30];
	s10 =	sadd.s32 $0x80, s10  }
0x1e: {  	v5 =	vmin.f32 v5, v0  }
0x1f: {  	v62 =	vmax.f32 v6, v0;
	v5 =	vmin.f32 v5, v1  }
0x20: {  	v0 =	vmax.f32 v62, v1;
	v63 =	vmin.f32 v5, v2  }
0x21: {  	v0 =	vmax.f32 v0, v2;
	v1 =	vmin.f32 v63, v3  }
0x22: {  	s8 =	sadd.s32 $0x1, s8;
	v0 =	vmax.f32 v0, v3;
	v1 =	vmin.f32 v1, v4  }
0x23: {  	p0 =	sne.s32 s8, s5;
	v0 =	vmax.f32 v0, v4;
	[tilespmem:$0x4000] =	vst v1  }
.Ltmp1:
0x24: {  	[tilespmem:$0x4010] =	vst v0;
	(pc) =	sbr.rel @p0 .LBB2_1-.Ltmp1, $4  }
0x25: {  	[hbm4b:s4+s2] =	stream.linear.scatter [tilespmem:s7], [sflag:$0x1], $0x80, $0x38;
	[tilespmem:$0x4080] =	vst v63  }
0x26: {  	_ =	swait.ge [sflag:s6], $0x80  }
0x27: {  	[sflag:s6] =	ssyncset.done $0x0  }
0x28: {  	[sflag:s6] =	ssyncadd.s32 $0xFFFFFF80  }
0x29: {  	_ =	sfence.sel $0x180000  }
0x2a: {  	[bflag:$0x0] =	sbarrier.arrive $0xFFFF  }
0x2b: {  	p0 =	sne.s32 s1, $0x0;
	_ =	strace $0x90000047  }
0x2c: {  	s0 =	sadd.s32 @!p0 $0x100000, s0;
	[bflag:$0x2] =	sbarrier.arrive $0xFFFF  }
0x2d: {  	[sflag:s0] =	ssyncadd.tile.s32 @!p0 $0x1;
	_ =	shalt  }
.Lfunc_end2:
_tile_overlayer_lowered:
.L_overlay_start_2:
0x2e: {  	(tag) =	ssettag $0x2  }
0x2f: {  	s0 =	rddreg [dreg:$0x0];
	s2 =	stileid.u32  }
0x30: {  	s1 =	rddreg [dreg:$0x1];
	p0 =	sne.s32 s2, $0x0  }
0x31: {  	s3 =	rddreg [dreg:$0x2];
	[bflag:$0x3] =	sbarrier.arrive $0xFFFF;
	s2 =	simm.s32 @!p0 $0x1C01  }
0x32: {  	[timem:s3], [sflag:s2] =	dma.local @!p0 [hbm:s0], s1  }
0x33: {  	s0 =	simm.s32 @!p0 $0x1  }
0x34: {  	_ =	swait.ge @!p0 [sflag:s0], s1  }
0x35: {  	s1 =	ssub.s32 @!p0 $0x0, s1;
	[sflag:s0] =	ssyncset.done @!p0 $0x0  }
0x36: {  	[sflag:s0] =	ssyncadd.s32 @!p0 s1  }
0x37: {  	[bflag:$0x3] =	sbarrier.arrive $0xFFFF  }
0x38: {  	_ =	shalt  }

// kernel: kernel.8.cloned.1.call-start
scs
__scs_entry_jumppad:
0x0: {  	(pc) =	sbr.rel $0x88, $3  }
0x1: {  	(tag) =	ssettag $0x0;
	lr =	simm.s32 $0x1  }
0x2: {  	[smem:$0x3F9F] =	sst lr;
	_ =	strace $0xD0000000  }
0x3: {  	_ = 	snop  }
0x4: {  	_ = 	snop  }
0x5: {  	_ = 	snop  }
0x6: {  	_ = 	snop  }
0x7: {  	_ = 	snop  }
__scs_overlays_trampoline_lowered:
0x8: {  	[smem:$0x3FAE] =	sst s0  }
0x9: {  	[smem:$0x3FAF] =	sst s1  }
0xa: {  	[smem:$0x3FB0] =	sst s2  }
0xb: {  	[smem:$0x3FB1] =	sst s3  }
0xc: {  	[smem:$0x3FB2] =	sst s4  }
0xd: {  	[smem:$0x3FB3] =	sst s5  }
0xe: {  	[smem:$0x3FB4] =	sst s6  }
0xf: {  	[smem:$0x3FB5] =	sst s7  }
0x10: {  	[smem:$0x3FB6] =	sst s8  }
0x11: {  	[smem:$0x3FB7] =	sst s9;
	s0 =	simm.s32 @!p0 $0x0  }
0x12: {  	s1 =	sld [smem:$0x3F9D];
	s0 =	simm.s32 @p0 $0x1  }
0x13: {  	[smem:$0x3FB8] =	sst s0;
	s0 =	simm.s32 @!p1 $0x0  }
0x14: {  	s2 =	sld [smem:$0x3F9C];
	s0 =	simm.s32 @p1 $0x1  }
0x15: {  	[smem:$0x3FB9] =	sst s0;
	s0 =	simm.s32 @!p2 $0x0  }
0x16: {  	s3 =	sld [smem:$0x3FDB];
	s0 =	simm.s32 @p2 $0x1  }
0x17: {  	s4 =	simm.s32 $0x1BF5;
	[smem:$0x3FBB] =	sst s0  }
0x18: {  	s0 =	sld [smem:$0x3F9E];
	_ =	swait.ge [sflag:s4], $0x0  }
0x19: {  	s7 =	sld [smem:$0x3F9F]  }
0x1a: {  	s8 =	sadd.s32 $0xFFFFE003, lr  }
0x1b: {  	s9 =	sadd.s32 $0xFFFFFEF7, lr;
	s5 =	simm.s32 $0xFFFFFFFF;
	p2 =	slt.u32 s8, $0xFFFFF086  }
0x1c: {  	p1 =	slt.u32 s9, $0xF7A;
	s5 =	simm.s32 @!p2 $0x0  }
0x1d: {  	s5 =	simm.s32 @p1 $0x1;
	p0 =	seq.s32 s7, s2  }
0x1e: {  	s7 =	smul.u32 @!p0 $0xF7A, s2;
	p2 =	seq.s32 @!p0 s5, $0x0  }
0x1f: {  	s9 =	smul.u32 $0xF7A, s1;
	s8 =	simm.s32 @!p0 $0x1BF5;
	p2 =	por !p2, p0  }
0x20: {  	[sflag:s8] =	ssyncset.s32 @!p0 $0xFFFFF086;
	s6 =	sadd.s32 @!p0 s3, s7;
	s7 =	simm.s32 @!p0 $0x108  }
0x21: {  	s3 =	sadd.s32 s3, s9;
	s6 =	sadd.s32 @!p0 $0x88, s6;
	s7 =	simm.s32 @p2 $0x1082  }
0x22: {  	[simem:s7], [sflag:s8] =	dma.local @!p0 [hbm:s6], $0xF7A  }
0x23: {  	s9 =	sor.u32 $0xD0000000, s2;
	s6 =	simm.s32 $0x108;
	_ =	swait.ge @!p0 [sflag:s8], $0x0  }
0x24: {  	s3 =	sadd.s32 $0x88, s3;
	s6 =	simm.s32 @!p1 $0x1082;
	[sflag:s4] =	ssyncset.s32 $0xFFFFF086  }
0x25: {  	[simem:s6], [sflag:s4] =	dma.local [hbm:s3], $0xF7A  }
0x26: {  	[smem:$0x3F9F] =	sst s1;
	(tag) =	ssettag s2;
	_ =	strace s9  }
0x27: {  	s1 =	sld [smem:$0x3FAF]  }
0x28: {  	s2 =	sld [smem:$0x3FB0]  }
0x29: {  	s4 =	sld [smem:$0x3FB2]  }
0x2a: {  	p0 =	seq.s32 s5, $0x0;
	s5 =	sld [smem:$0x3FB3]  }
0x2b: {  	s6 =	sld [smem:$0x3FB4]  }
0x2c: {  	s7 =	sld [smem:$0x3FB5]  }
0x2d: {  	s3 =	simm.s32 $0x108;
	s8 =	sld [smem:$0x3FB6]  }
0x2e: {  	s3 =	simm.s32 @!p0 $0x1082;
	s9 =	sld [smem:$0x3FB7]  }
0x2f: {  	lr =	sadd.s32 s0, s3;
	s0 =	sld [smem:$0x3FAE]  }
0x30: {  	s3 =	sld [smem:$0x3FB1]  }
0x31: {  	[smem:$0x3FBA] =	sst s10  }
0x32: {  	s10 =	sld [smem:$0x3FB8];
	_ =	sdelay $0x3  }
0x33: {  	p0 =	seq.s32 s10, $0x1;
	s10 =	sld [smem:$0x3FBA];
	_ =	sdelay $0x3  }
0x34: {  	[smem:$0x3FBA] =	sst s10  }
0x35: {  	s10 =	sld [smem:$0x3FB9];
	_ =	sdelay $0x3  }
0x36: {  	p1 =	seq.s32 s10, $0x1;
	s10 =	sld [smem:$0x3FBA];
	_ =	sdelay $0x3  }
0x37: {  	[smem:$0x3FBA] =	sst s10  }
0x38: {  	s10 =	sld [smem:$0x3FBB]  }
0x39: {  	_ = 	snop;
	(pc) =	sbr.ind lr, $3  }
0x3a: {  	_ = 	snop  }
0x3b: {  	_ = 	snop  }
0x3c: {  	p2 =	seq.s32 s10, $0x1;
	s10 =	sld [smem:$0x3FBA]  }
0x3d: {  	_ =	shalt  }
0x3e: {  	_ =	shalt  }
0x3f: {  	_ =	shalt  }
0x40: {  	_ =	shalt  }
0x41: {  	_ =	shalt  }
0x42: {  	_ =	shalt  }
0x43: {  	_ =	shalt  }
0x44: {  	_ =	shalt  }
0x45: {  	_ =	shalt  }
0x46: {  	_ =	shalt  }
0x47: {  	_ =	shalt  }
0x48: {  	_ =	shalt  }
0x49: {  	_ =	shalt  }
0x4a: {  	_ =	shalt  }
0x4b: {  	_ =	shalt  }
0x4c: {  	_ =	shalt  }
0x4d: {  	_ =	shalt  }
0x4e: {  	_ =	shalt  }
0x4f: {  	_ =	shalt  }
0x50: {  	_ =	shalt  }
0x51: {  	_ =	shalt  }
0x52: {  	_ =	shalt  }
0x53: {  	_ =	shalt  }
0x54: {  	_ =	shalt  }
0x55: {  	_ =	shalt  }
0x56: {  	_ =	shalt  }
0x57: {  	_ =	shalt  }
0x58: {  	_ =	shalt  }
0x59: {  	_ =	shalt  }
0x5a: {  	_ =	shalt  }
0x5b: {  	_ =	shalt  }
0x5c: {  	_ =	shalt  }
0x5d: {  	_ =	shalt  }
0x5e: {  	_ =	shalt  }
0x5f: {  	_ =	shalt  }
0x60: {  	_ =	shalt  }
0x61: {  	_ =	shalt  }
0x62: {  	_ =	shalt  }
0x63: {  	_ =	shalt  }
0x64: {  	_ =	shalt  }
0x65: {  	_ =	shalt  }
0x66: {  	_ =	shalt  }
0x67: {  	_ =	shalt  }
0x68: {  	_ =	shalt  }
0x69: {  	_ =	shalt  }
0x6a: {  	_ =	shalt  }
0x6b: {  	_ =	shalt  }
0x6c: {  	_ =	shalt  }
0x6d: {  	_ =	shalt  }
0x6e: {  	_ =	shalt  }
0x6f: {  	_ =	shalt  }
0x70: {  	_ =	shalt  }
0x71: {  	_ =	shalt  }
0x72: {  	_ =	shalt  }
0x73: {  	_ =	shalt  }
0x74: {  	_ =	shalt  }
0x75: {  	_ =	shalt  }
0x76: {  	_ =	shalt  }
0x77: {  	_ =	shalt  }
0x78: {  	_ =	shalt  }
0x79: {  	_ =	shalt  }
0x7a: {  	_ =	shalt  }
0x7b: {  	_ =	shalt  }
0x7c: {  	_ =	shalt  }
0x7d: {  	_ =	shalt  }
0x7e: {  	_ =	shalt  }
0x7f: {  	_ =	shalt  }
0x80: {  	_ =	shalt  }
0x81: {  	_ =	shalt  }
0x82: {  	_ =	shalt  }
0x83: {  	_ =	shalt  }
0x84: {  	_ =	shalt  }
0x85: {  	_ =	shalt  }
0x86: {  	_ =	shalt  }
0x87: {  	_ =	shalt  }
.Lfunc_end0:
.L_simem_size_0:
called_computation.1_lowered:
.L_overlay_start_0:
0x88: {  	s2 =	sld [smem:$0x3FD9]  }
0x89: {  	s3 =	sld [smem:$0x3FFE];
	_ =	sdelay $0x1  }
0x8a: {  	s1 =	srdreg.scid  }
0x8b: {  	s0 =	sand.u32 $0x1, s1  }
0x8c: {  	s16 =	sshll.u32 s0, $0xA;
	s2 =	sadd.s32 s3, s2  }
0x8d: {  	s2 =	sadd.s32 s2, s16  }
0x8e: {  	[smem:$0x3FC6] =	sst s2  }
0x8f: {  	_ = 	snop  }
0x90: {  	(tm) =	ssettm $0x1  }
0x91: {  	s17 =	sld [smem:$0x3FFB];
	_ =	sdelay $0x3  }
0x92: {  	_ =	strace s17  }
0x93: {  	s2 =	sld [smem:$0x3FFC];
	_ =	sdelay $0x3  }
0x94: {  	_ =	strace s2  }
0x95: {  	s2 =	sld [smem:$0x3FFD];
	_ =	sdelay $0x3  }
0x96: {  	_ =	strace s2  }
0x97: {  	_ =	strace $0x8FFFFFFF  }
0x98: {  	s18 =	sld [smem:$0x3FDB];
	_ =	sdelay $0x1  }
0x99: {  	s19 =	simm.s32 $_scs_section_size  }
0x9a: {  	s4 =	simm.s32 $_size__tile_overlayer_lowered;
	s5 =	simm.s32 $_tile_overlayer_lowered  }
0x9b: {  	s22 =	simm.s32 $0x1BFF;
	s21 =	sshll.u32 s5, $0x1;
	s2 =	sadd.s32 s19, s18  }
0x9c: {  	s6 =	simm.s32 $0x0;
	s20 =	sshll.u32 s4, $0x1;
	s4 =	sadd.s32 s21, s2  }
0x9d: {  	[timem:s6], [sflag:s22] =	dma.local [hbm:s4], s20  }
0x9e: {  	_ =	swait.ge [sflag:s22], s20  }
0x9f: {  	s3 =	ssub.s32 $0x0, s20;
	[sflag:s22] =	ssyncset.done $0x0  }
0xa0: {  	[sflag:s22] =	ssyncadd.s32 s3;
	_ =	sdelay $0x1  }
0xa1: {  	s23 =	simm.s32 $0x1B8B  }
0xa2: {  	_ =	swait.ge [sflag:s23], $0x1  }
0xa3: {  	[sflag:s23] =	ssyncset.done $0x0  }
0xa4: {  	s25 =	simm.s32 $0x1B8E;
	s24 =	sld [smem:$0x3FFE];
	[sflag:s23] =	ssyncadd.s32 $0xFFFFFFFF  }
0xa5: {  	s26 =	simm.s32 $execute0_lowered;
	[smem:$0x3FD2] =	sst s25  }
0xa6: {  	s4 =	sshll.u32 s26, $0x1;
	_ =	strace $0x80000049;
	[dreg:$0x1] =	wrdreg $0xFFFFFFFF  }
0xa7: {  	s28 =	simm.s32 $_size_execute0_lowered;
	s2 =	sadd.s32 s2, s4;
	[dreg:$0x0] =	wrdreg $0x0  }
0xa8: {  	s4 =	sshll.u32 s28, $0x1;
	[dreg:$0x2] =	wrdreg s2  }
0xa9: {  	[dreg:$0x3] =	wrdreg s4  }
0xaa: {  	[dreg:$0x4] =	wrdreg $0xC0  }
0xab: {  	_ =	task [dreg:s6], $0x5FFFF  }
0xac: {  	[dreg:$0x1] =	wrdreg $0xFFFFFFFF  }
0xad: {  	[dreg:$0x0] =	wrdreg $0x60  }
0xae: {  	[dreg:$0x2] =	wrdreg s24  }
0xaf: {  	[dreg:$0x3] =	wrdreg $0x9  }
0xb0: {  	_ =	task.clear_ibuf [dreg:s6], $0x4FFFF;
	_ =	strace $0x90000049  }
0xb1: {  	s29 =	simm.s32 $0x9;
	_ =	strace $0x8000004B  }
0xb2: {  	_ =	swait.ge [sflag:s29], $0x1  }
0xb3: {  	[sflag:s29] =	ssyncadd.s32 $0xFFFFFFFF  }
0xb4: {  	_ =	strace $0x9000004B  }
0xb5: {  	_ =	sfence  }
0xb6: {  	s30 =	sld [smem:$0x0];
	_ =	sdelay $0x2  }
0xb7: {  	s31 =	sshll.u32 s1, $0xD;
	s1 =	sshrl.u32 s1, $0x2  }
0xb8: {  	s3 =	sand.u32 $0x4000, s31;
	s1 =	sadd.s32 s1, s30  }
0xb9: {  	s0 =	sor.u32 s3, s0;
	s1 =	sshll.u32 s1, $0x11  }
0xba: {  	s0 =	sor.u32 s1, s0  }
0xbb: {  	s0 =	sadd.s32 $0x8F2B, s0  }
0xbc: {  	[sflag:s0] =	ssyncadd.remote.s32 $0x1  }
0xbd: {  	_ =	sfence.sel $0xFFFF  }
0xbe: {  	[dreg:$0x0] =	wrdreg $0xFFFFFFFF;
	(pc) =	sbr.abs _section_cstart, $3  }
0xbf: {  	[dreg:$0x1] =	wrdreg $0xFFFFFFFF  }
0xc0: {  	_ =	task.clear_ibuf [dreg:s6], $0x2FFFF;
	_ =	strace $0x9FFFFFFF  }
0xc1: {  	(tm) =	ssettm $0x7FFFFFFF  }
tec
execute0_lowered:
.L_overlay_start_1:
0x0: {  	(tag) =	ssettag $0x1  }
0x1: {  	s4 =	rddreg [dreg:$0x0]  }
0x2: {  	s0 =	rddreg [dreg:$0x1]  }
0x3: {  	s2 =	simm.s32 $0x0;
	s1 =	stileid.u32;
	s5 =	srdreg.scid  }
0x4: {  	s10 =	simm.s32 $0x5000;
	s11 =	simm.s32 $0x5800;
	s12 =	simm.s32 $0x0  }
0x5: {  	[smem:$0x7FF] =	sst s2;
	s3 =	sshll.u32 s1, $0xB;
	s7 =	sshll.u32 s1, $0x4  }
0x6: {  	s5 =	sand.u32 $0x1, s5;
	_ =	strace $0x8000004A;
	s6 =	sadd.s32 s3, s4  }
0x7: {  	s3 =	sadd.s32 $0x10E00, s4;
	s4 =	sadd.s32 s7, s4;
	s31 =	ssub.s32 $0x2, s5  }
0x8: {  	s9 =	sshll.u32 s5, $0xF;
	s5 =	sshll.u32 s5, $0x8;
	s8 =	sshrl.u32 s31, $0x1  }
0x9: {  	s6 =	sadd.s32 s9, s6;
	s5 =	sadd.s32 s5, s4;
	s9 =	simm.s32 $0x1  }
0xa: {  	v1 =	vlaneseq.u32;
	s7 =	ssub.s32 s31, s8;
	s4 =	sadd.s32 $0xE00, s6;
	s5 =	sadd.s32 $0x11000, s5  }
0xb: {  	v0 =	vimm.f32 $0.0e+00;
	v1 =	vmul.u32 $0x80, v1;
	s8 =	simm.s32 $0x2;
	s6 =	smax.u32 s7, $0x1;
	s7 =	simm.s32 $0x4000  }
.LBB2_1:
0xc: {  	[tilespmem:s2], [sflag:$0x1] =	stream.linear.gather [hbm4b:s4+s2], $0x4000, $0x38;
	[tilespmem:$0x5880] =	vst v63  }
0xd: {  	_ = 	snop  }
0xe: {  	[tilespmem:s7], [sflag:$0x2] =	stream.linear.gather [hbm4b:s3+s2], $0x1000, $0x38;
	[tilespmem:$0x5880] =	vst v63  }
0xf: {  	_ =	swait.ge [sflag:s8], $0x1000  }
0x10: {  	[sflag:s8] =	ssyncset.done $0x0  }
0x11: {  	[sflag:s8] =	ssyncadd.s32 $0xFFFFF000  }
0x12: {  	v2 =	vld [tilespmem:$0x4000]  }
0x13: {  	v4 =	vld [tilespmem:$0x4080]  }
0x14: {  	v5 =	vld [tilespmem:$0x4090]  }
0x15: {  	v6 =	vld [tilespmem:$0x4100]  }
0x16: {  	v7 =	vld [tilespmem:$0x4110]  }
0x17: {  	v8 =	vld [tilespmem:$0x4180]  }
0x18: {  	v9 =	vld [tilespmem:$0x4190]  }
0x19: {  	v10 =	vld [tilespmem:$0x4200]  }
0x1a: {  	v11 =	vld [tilespmem:$0x4210]  }
0x1b: {  	v12 =	vld [tilespmem:$0x4280]  }
0x1c: {  	v13 =	vld [tilespmem:$0x4290]  }
0x1d: {  	v14 =	vld [tilespmem:$0x4300]  }
0x1e: {  	v15 =	vld [tilespmem:$0x4310]  }
0x1f: {  	v16 =	vld [tilespmem:$0x4380]  }
0x20: {  	v17 =	vld [tilespmem:$0x4390]  }
0x21: {  	v18 =	vld [tilespmem:$0x4400]  }
0x22: {  	v19 =	vld [tilespmem:$0x4410]  }
0x23: {  	v20 =	vld [tilespmem:$0x4480]  }
0x24: {  	v21 =	vld [tilespmem:$0x4490]  }
0x25: {  	v22 =	vld [tilespmem:$0x4500]  }
0x26: {  	v23 =	vld [tilespmem:$0x4510]  }
0x27: {  	v24 =	vld [tilespmem:$0x4580]  }
0x28: {  	v25 =	vld [tilespmem:$0x4590]  }
0x29: {  	v26 =	vld [tilespmem:$0x4600]  }
0x2a: {  	v27 =	vld [tilespmem:$0x4610]  }
0x2b: {  	v28 =	vld [tilespmem:$0x4680]  }
0x2c: {  	v29 =	vld [tilespmem:$0x4690]  }
0x2d: {  	v30 =	vld [tilespmem:$0x4700]  }
0x2e: {  	v31 =	vld [tilespmem:$0x4710]  }
0x2f: {  	v32 =	vld [tilespmem:$0x4780]  }
0x30: {  	v33 =	vld [tilespmem:$0x4790]  }
0x31: {  	v34 =	vld [tilespmem:$0x4800]  }
0x32: {  	v35 =	vld [tilespmem:$0x4810]  }
0x33: {  	v36 =	vld [tilespmem:$0x4880]  }
0x34: {  	v37 =	vld [tilespmem:$0x4890]  }
0x35: {  	v38 =	vld [tilespmem:$0x4900]  }
0x36: {  	v39 =	vld [tilespmem:$0x4910]  }
0x37: {  	v40 =	vld [tilespmem:$0x4980]  }
0x38: {  	v41 =	vld [tilespmem:$0x4990]  }
0x39: {  	v42 =	vld [tilespmem:$0x4A00]  }
0x3a: {  	v43 =	vld [tilespmem:$0x4A10]  }
0x3b: {  	v44 =	vld [tilespmem:$0x4A80]  }
0x3c: {  	v45 =	vld [tilespmem:$0x4A90]  }
0x3d: {  	v46 =	vld [tilespmem:$0x4B00]  }
0x3e: {  	v47 =	vld [tilespmem:$0x4B10]  }
0x3f: {  	v48 =	vld [tilespmem:$0x4B80]  }
0x40: {  	v49 =	vld [tilespmem:$0x4B90]  }
0x41: {  	v50 =	vld [tilespmem:$0x4C00]  }
0x42: {  	v51 =	vld [tilespmem:$0x4C10]  }
0x43: {  	v52 =	vld [tilespmem:$0x4C80]  }
0x44: {  	v53 =	vld [tilespmem:$0x4C90]  }
0x45: {  	v54 =	vld [tilespmem:$0x4D00]  }
0x46: {  	[tilespmem:$0x1FFD0] =	vst v2;
	v2 =	vld [tilespmem:$0x4010]  }
0x47: {  	v55 =	vld [tilespmem:$0x4D10]  }
0x48: {  	v56 =	vld [tilespmem:$0x4D80]  }
0x49: {  	v57 =	vld [tilespmem:$0x4D90]  }
0x4a: {  	v58 =	vld [tilespmem:$0x4E00]  }
0x4b: {  	[tilespmem:$0x1FFE0] =	vst v2;
	v2 =	vld [tilespmem:$0x4F80]  }
0x4c: {  	v59 =	vld [tilespmem:$0x4E10]  }
0x4d: {  	v60 =	vld [tilespmem:$0x4E80]  }
0x4e: {  	v61 =	vld [tilespmem:$0x4E90]  }
0x4f: {  	v62 =	vld [tilespmem:$0x4F00]  }
0x50: {  	s13 =	simm.s32 $0x5040;
	v63 =	vld [tilespmem:$0x4F10];
	[tilespmem:$0x1FFF0] =	vst v2  }
0x51: {  	v3 =	vld [tilespmem:$0x4F90];
	[tilespmem:s13+$0xFFFFFFC0] =	vst v0  }
0x52: {  	[tilespmem:s13+$0x30] =	vst v0  }
0x53: {  	[tilespmem:s13+$0x20] =	vst v0  }
0x54: {  	[tilespmem:s13+$0x10] =	vst v0  }
0x55: {  	[tilespmem:s13+$0x0] =	vst v0  }
0x56: {  	[tilespmem:s13+$0xFFFFFFF0] =	vst v0  }
0x57: {  	s14 =	simm.s32 $0x0;
	[tilespmem:s13+$0xFFFFFFE0] =	vst v0  }
.LBB2_2:
0x58: {  	s14 =	sadd.s32 $0x8, s14;
	[tilespmem:s13+$0xFFFFFFD0] =	vst v0;
	s13 =	sadd.s32 $0x80, s13  }
0x59: {  	[tilespmem:s13+$0xFFFFFFC0] =	vst v0;
	p0 =	slt.u32 s14, $0x78  }
0x5a: {  	[tilespmem:s13+$0x30] =	vst v0  }
.Ltmp0:
0x5b: {  	[tilespmem:s13+$0x20] =	vst v0;
	(pc) =	sbr.rel @p0 .LBB2_2-.Ltmp0, $4  }
0x5c: {  	[tilespmem:s13+$0x10] =	vst v0  }
0x5d: {  	[tilespmem:s13+$0x0] =	vst v0  }
0x5e: {  	[tilespmem:s13+$0xFFFFFFF0] =	vst v0  }
0x5f: {  	[tilespmem:s13+$0xFFFFFFE0] =	vst v0  }
0x60: {  	v2 =	vld [tilespmem:$0x1FFD0];
	_ =	sdelay $0x4  }
0x61: {  	v4 =	vmin.f32 v2, v4;
	v2 =	vld [tilespmem:$0x1FFE0];
	_ =	sdelay $0x4  }
0x62: {  	v4 =	vmin.f32 v4, v6;
	v5 =	vmax.f32 v2, v5  }
0x63: {  	v4 =	vmin.f32 v4, v8;
	v5 =	vmax.f32 v5, v7  }
0x64: {  	v4 =	vmin.f32 v4, v10;
	v5 =	vmax.f32 v5, v9  }
0x65: {  	v4 =	vmin.f32 v4, v12;
	v5 =	vmax.f32 v5, v11  }
0x66: {  	v4 =	vmin.f32 v4, v14;
	v5 =	vmax.f32 v5, v13  }
0x67: {  	v4 =	vmin.f32 v4, v16;
	v5 =	vmax.f32 v5, v15  }
0x68: {  	v4 =	vmin.f32 v4, v18;
	v5 =	vmax.f32 v5, v17  }
0x69: {  	v4 =	vmin.f32 v4, v20;
	v5 =	vmax.f32 v5, v19  }
0x6a: {  	v4 =	vmin.f32 v4, v22;
	v5 =	vmax.f32 v5, v21  }
0x6b: {  	v4 =	vmin.f32 v4, v24;
	v5 =	vmax.f32 v5, v23  }
0x6c: {  	v4 =	vmin.f32 v4, v26;
	v5 =	vmax.f32 v5, v25  }
0x6d: {  	v4 =	vmin.f32 v4, v28;
	v5 =	vmax.f32 v5, v27  }
0x6e: {  	v4 =	vmin.f32 v4, v30;
	v5 =	vmax.f32 v5, v29  }
0x6f: {  	v4 =	vmin.f32 v4, v32;
	v5 =	vmax.f32 v5, v31  }
0x70: {  	v4 =	vmin.f32 v4, v34;
	v5 =	vmax.f32 v5, v33  }
0x71: {  	v4 =	vmin.f32 v4, v36;
	v5 =	vmax.f32 v5, v35  }
0x72: {  	v4 =	vmin.f32 v4, v38;
	v5 =	vmax.f32 v5, v37  }
0x73: {  	v4 =	vmin.f32 v4, v40;
	v5 =	vmax.f32 v5, v39  }
0x74: {  	v4 =	vmin.f32 v4, v42;
	v5 =	vmax.f32 v5, v41  }
0x75: {  	v4 =	vmin.f32 v4, v44;
	v5 =	vmax.f32 v5, v43  }
0x76: {  	v4 =	vmin.f32 v4, v46;
	v5 =	vmax.f32 v5, v45  }
0x77: {  	v4 =	vmin.f32 v4, v48;
	v5 =	vmax.f32 v5, v47  }
0x78: {  	v4 =	vmin.f32 v4, v50;
	v5 =	vmax.f32 v5, v49  }
0x79: {  	v4 =	vmin.f32 v4, v52;
	v5 =	vmax.f32 v5, v51  }
0x7a: {  	v2 =	vld [tilespmem:$0x1FFF0];
	v4 =	vmin.f32 v4, v54;
	v5 =	vmax.f32 v5, v53  }
0x7b: {  	v4 =	vmin.f32 v4, v56;
	v5 =	vmax.f32 v5, v55  }
0x7c: {  	v4 =	vmin.f32 v4, v58;
	v5 =	vmax.f32 v5, v57  }
0x7d: {  	v4 =	vmin.f32 v4, v60;
	v5 =	vmax.f32 v5, v59  }
0x7e: {  	v4 =	vmin.f32 v4, v62;
	v5 =	vmax.f32 v5, v61  }
0x7f: {  	v2 =	vmin.f32 v4, v2;
	v5 =	vmax.f32 v5, v63  }
0x80: {  	(v2sf) =	vpush v2, $0x0;
	v3 =	vmax.f32 v5, v3  }
0x81: {  	(v2sf) =	vpush v3, $0x0  }
0x82: {  	(v2sf) =	vpush v2, $0x1  }
0x83: {  	(v2sf) =	vpush v3, $0x1  }
0x84: {  	(v2sf) =	vpush v2, $0x2  }
0x85: {  	(v2sf) =	vpush v3, $0x2  }
0x86: {  	(v2sf) =	vpush v2, $0x3  }
0x87: {  	(v2sf) =	vpush v3, $0x3  }
0x88: {  	(v2sf) =	vpush v2, $0x4  }
0x89: {  	(v2sf) =	vpush v3, $0x4  }
0x8a: {  	(v2sf) =	vpush v2, $0x5  }
0x8b: {  	(v2sf) =	vpush v3, $0x5  }
0x8c: {  	(v2sf) =	vpush v2, $0x6  }
0x8d: {  	(v2sf) =	vpush v3, $0x6  }
0x8e: {  	(v2sf) =	vpush v2, $0x7  }
0x8f: {  	s14 =	spop (v2sf);
	(v2sf) =	vpush v3, $0x7  }
0x90: {  	s15 =	spop (v2sf);
	(v2sf) =	vpush v2, $0x8  }
0x91: {  	s16 =	spop (v2sf);
	(v2sf) =	vpush v3, $0x8  }
0x92: {  	s17 =	spop (v2sf);
	(v2sf) =	vpush v2, $0x9  }
0x93: {  	s14 =	smin.f32 s14, s16;
	s29 =	spop (v2sf);
	(v2sf) =	vpush v3, $0x9  }
0x94: {  	s15 =	smax.f32 s15, s17;
	s30 =	spop (v2sf);
	(v2sf) =	vpush v2, $0xA  }
0x95: {  	s14 =	smin.f32 s14, s29;
	s31 =	spop (v2sf);
	(v2sf) =	vpush v3, $0xA  }
0x96: {  	s15 =	smax.f32 s15, s30;
	s18 =	spop (v2sf);
	(v2sf) =	vpush v2, $0xB  }
0x97: {  	s14 =	smin.f32 s14, s31;
	s19 =	spop (v2sf);
	(v2sf) =	vpush v3, $0xB  }
0x98: {  	s15 =	smax.f32 s15, s18;
	s20 =	spop (v2sf);
	(v2sf) =	vpush v2, $0xC  }
0x99: {  	s14 =	smin.f32 s14, s19;
	s21 =	spop (v2sf);
	(v2sf) =	vpush v3, $0xC  }
0x9a: {  	s15 =	smax.f32 s15, s20;
	s22 =	spop (v2sf);
	(v2sf) =	vpush v2, $0xD  }
0x9b: {  	s14 =	smin.f32 s14, s21;
	s23 =	spop (v2sf);
	(v2sf) =	vpush v3, $0xD  }
0x9c: {  	s15 =	smax.f32 s15, s22;
	s24 =	spop (v2sf);
	(v2sf) =	vpush v2, $0xE  }
0x9d: {  	s14 =	smin.f32 s14, s23;
	s25 =	spop (v2sf);
	(v2sf) =	vpush v3, $0xE  }
0x9e: {  	s15 =	smax.f32 s15, s24;
	s26 =	spop (v2sf);
	(v2sf) =	vpush v2, $0xF  }
0x9f: {  	s14 =	smin.f32 s14, s25;
	s28 =	spop (v2sf);
	(v2sf) =	vpush v3, $0xF  }
0xa0: {  	s15 =	smax.f32 s15, s26;
	s29 =	spop (v2sf)  }
0xa1: {  	s14 =	smin.f32 s14, s28;
	s30 =	spop (v2sf)  }
0xa2: {  	s15 =	smax.f32 s15, s29;
	s31 =	spop (v2sf)  }
0xa3: {  	s14 =	smin.f32 s14, s30;
	s18 =	spop (v2sf)  }
0xa4: {  	s15 =	smax.f32 s15, s31;
	s19 =	spop (v2sf)  }
0xa5: {  	s14 =	smin.f32 s14, s18;
	s20 =	spop (v2sf)  }
0xa6: {  	s15 =	smax.f32 s15, s19;
	s21 =	spop (v2sf)  }
0xa7: {  	s14 =	smin.f32 s14, s20;
	s22 =	spop (v2sf)  }
0xa8: {  	s15 =	smax.f32 s15, s21;
	s23 =	spop (v2sf)  }
0xa9: {  	s14 =	smin.f32 s14, s22;
	s24 =	spop (v2sf)  }
0xaa: {  	s15 =	smax.f32 s15, s23;
	s25 =	spop (v2sf)  }
0xab: {  	s14 =	smin.f32 s14, s24;
	s26 =	spop (v2sf)  }
0xac: {  	s15 =	smax.f32 s15, s25;
	s28 =	spop (v2sf)  }
0xad: {  	s14 =	smin.f32 s14, s26;
	s29 =	spop (v2sf)  }
0xae: {  	s15 =	smax.f32 s15, s28;
	s30 =	spop (v2sf)  }
0xaf: {  	s14 =	smin.f32 s14, s29;
	s15 =	smax.f32 s15, s30  }
0xb0: {  	s15 =	ssub.f32 s15, s14;
	_ =	sdelay $0x1  }
0xb1: {  	v2 =	vmov s15  }
0xb2: {  	v2 =	vsub.s32 $0x7EF311C3, v2  }
0xb3: {  	v3 =	vmul.f32 s15, v2;
	_ =	sdelay $0x1  }
0xb4: {  	v3 =	vsub.f32 $2.000000000e+00, v3;
	_ =	sdelay $0x1  }
0xb5: {  	v2 =	vmul.f32 v2, v3;
	_ =	sdelay $0x1  }
0xb6: {  	v3 =	vmul.f32 s15, v2  }
0xb7: {  	[tilespmem:s13+$0xFFFFFFD0] =	vst v0  }
0xb8: {  	_ =	swait.ge [sflag:s9], $0x4000;
	v3 =	vsub.f32 $2.000000000e+00, v3  }
0xb9: {  	[sflag:s9] =	ssyncset.done $0x0  }
0xba: {  	s31 =	simm.s32 $0x40;
	[sflag:s9] =	ssyncadd.s32 $0xFFFFC000;
	v2 =	vmul.f32 v3, v2  }
0xbb: {  	v4 =	vld [tilespmem:s31+$0xFFFFFFC0]  }
0xbc: {  	v5 =	vld [tilespmem:s31+$0xFFFFFFD0];
	v3 =	vmul.f32 s15, v2  }
0xbd: {  	v6 =	vld [tilespmem:s31+$0x20]  }
0xbe: {  	v7 =	vld [tilespmem:s31+$0x10];
	v3 =	vsub.f32 $2.000000000e+00, v3  }
0xbf: {  	v8 =	vld [tilespmem:s31+$0x30]  }
0xc0: {  	v10 =	vld [tilespmem:s31+$0xFFFFFFF0];
	v3 =	vmul.f32 v3, v2  }
0xc1: {  	v2 =	vmov s14  }
0xc2: {  	v9 =	vld [tilespmem:s31+$0xFFFFFFE0];
	v4 =	vsub.f32 v4, v2;
	v3 =	vmul.f32 $1.270000000e+02, v3  }
0xc3: {  	v6 =	vsub.f32 v6, v2;
	v7 =	vsub.f32 v7, v2  }
0xc4: {  	v8 =	vsub.f32 v8, v2;
	v5 =	vsub.f32 v5, v2;
	v4 =	vmul.f32 v4, v3  }
0xc5: {  	v10 =	vsub.f32 v10, v2;
	v6 =	vmul.f32 v6, v3;
	v7 =	vmul.f32 v7, v3  }
0xc6: {  	v5 =	vmul.f32 v5, v3;
	v8 =	vmul.f32 v8, v3;
	v4 =	vmin.f32 v4, $1.270000000e+02  }
0xc7: {  	v9 =	vsub.f32 v9, v2;
	v15 =	vmul.f32 v10, v3;
	v11 =	vtrunc.f32 v4  }
0xc8: {  	v6 =	vmin.f32 v6, $1.270000000e+02;
	v21 =	vmin.f32 v5, $1.270000000e+02;
	v11 =	vcvt.f32.s32 v11  }
0xc9: {  	v13 =	vld [tilespmem:s31+$0x0];
	v15 =	vmin.f32 v15, $1.270000000e+02;
	v5 =	vtrunc.f32 v21;
	v63 =	vtrunc.f32 v6  }
0xca: {  	v12 =	vcvt.s32.f32 v11;
	v14 =	vadd.s32 $0x1, v11;
	v16 =	vadd.s32 v1, v11  }
0xcb: {  	v11 =	vmin.f32 v8, $1.270000000e+02;
	v8 =	vmul.f32 v9, v3;
	vm0 =	vlt.s32 v14, $0x7F  }
0xcc: {  	v20 =	vsub.f32 v4, v12;
	v9 =	vnsel vm0, $0x7F, v14;
	v4 =	vmin.f32 v7, $1.270000000e+02  }
0xcd: {  	v10 =	vmin.f32 v8, $1.270000000e+02;
	v12 =	vcvt.f32.s32 v5;
	v14 =	vtrunc.f32 v15  }
0xce: {  	v19 =	vsub.f32 v13, v2;
	v7 =	vtrunc.f32 v4;
	v5 =	vtrunc.f32 v10  }
0xcf: {  	v25 =	vadd.s32 v1, v9;
	v22 =	vcvt.f32.s32 v14;
	v9 =	vcvt.f32.s32 v7  }
0xd0: {  	v8 =	vsub.f32 $1.000000000e+00, v20;
	v17 =	vcvt.f32.s32 v5;
	v5 =	vtrunc.f32 v11  }
0xd1: {  	v7 =	vadd.s32 $0x1, v12;
	v24 =	vcvt.s32.f32 v12;
	v13 =	vcvt.f32.s32 v5  }
0xd2: {  	vm0 =	vlt.s32 v7, $0x7F;
	v23 =	vadd.s32 $0x1, v22;
	v14 =	vadd.s32 v1, v22  }
0xd3: {  	v26 =	vadd.s32 $0x1, v17;
	v5 =	vnsel vm0, $0x7F, v7;
	v18 =	vcvt.s32.f32 v17  }
0xd4: {  	[tilespmem:v16+s10+$0x0] =	vst.idx.add.f32.msk $0xffff, v8;
	v8 =	vsub.f32 v21, v24;
	v21 =	vcvt.f32.s32 v63;
	v7 =	vadd.s32 $0x1, v13  }
0xd5: {  	vm0 =	vlt.s32 v26, $0x7F;
	v24 =	vcvt.s32.f32 v13;
	vm1 =	vlt.s32 v7, $0x7F  }
0xd6: {  	[tilespmem:v25+s10+$0x0] =	vst.idx.add.f32.msk $0xffff, v20;
	v20 =	vnsel vm0, $0x7F, v26;
	vm0 =	vlt.s32 v23, $0x7F;
	v27 =	vnsel vm1, $0x7F, v7  }
0xd7: {  	s13 =	simm.s32 $0x0;
	s14 =	simm.s32 $0xC0;
	v7 =	vadd.s32 v1, v5;
	v5 =	vadd.s32 v1, v9;
	v16 =	vadd.s32 v1, v27  }
.LBB2_4:
0xd8: {  	s13 =	sadd.s32 $0x8, s13;
	v22 =	vcvt.s32.f32 v22;
	v19 =	vmul.f32 v19, v3;
	v11 =	vsub.f32 v11, v24  }
0xd9: {  	v17 =	vadd.s32 v1, v17;
	v23 =	vnsel vm0, $0x7F, v23;
	v24 =	vadd.s32 $0x1, v21;
	p0 =	slt.u32 s13, $0x3F8  }
0xda: {  	v26 =	vcvt.s32.f32 v21;
	vm0 =	vlt.s32 v24, $0x7F;
	v25 =	vld [tilespmem:s14+$0xFFFFFFD0];
	v27 =	vsub.f32 $1.000000000e+00, v11  }
0xdb: {  	v12 =	vadd.s32 v1, v12;
	v23 =	vadd.s32 v1, v23;
	v24 =	vnsel vm0, $0x7F, v24;
	v28 =	vld [tilespmem:s14+$0xFFFFFFC0]  }
0xdc: {  	v19 =	vmin.f32 v19, $1.270000000e+02;
	v26 =	vsub.f32 v6, v26;
	v24 =	vadd.s32 v1, v24;
	v29 =	vld [tilespmem:s14+$0x30]  }
0xdd: {  	v18 =	vsub.f32 v10, v18;
	v15 =	vsub.f32 v15, v22;
	v10 =	vtrunc.f32 v19;
	v6 =	vld [tilespmem:s14+$0x20]  }
0xde: {  	v21 =	vadd.s32 v1, v21;
	v22 =	vsub.f32 $1.000000000e+00, v8;
	v30 =	vsub.f32 $1.000000000e+00, v26  }
0xdf: {  	v13 =	vadd.s32 v1, v13;
	v32 =	vsub.f32 $1.000000000e+00, v18;
	v10 =	vcvt.f32.s32 v10;
	v31 =	vld [tilespmem:s14+$0x10]  }
0xe0: {  	v20 =	vadd.s32 v1, v20;
	v34 =	vsub.f32 $1.000000000e+00, v15;
	v28 =	vsub.f32 v28, v2;
	v33 =	vld [tilespmem:s14+$0xFFFFFFF0]  }
0xe1: {  	v36 =	vcvt.s32.f32 v10;
	v37 =	vadd.s32 $0x1, v10;
	v10 =	vadd.s32 v1, v10;
	v35 =	vld [tilespmem:s14+$0xFFFFFFE0]  }
0xe2: {  	vm0 =	vlt.s32 v37, $0x7F;
	v28 =	vmul.f32 v28, v3;
	v38 =	vld [tilespmem:s14+$0x0];
	v6 =	vsub.f32 v6, v2  }
0xe3: {  	[tilespmem:v14+s10+$0x0] =	vst.idx.add.f32.msk $0xffff, v34;
	v14 =	vsub.f32 v19, v36;
	v19 =	vcvt.s32.f32 v9;
	v9 =	vadd.s32 $0x1, v9  }
0xe4: {  	v34 =	vnsel vm0, $0x7F, v37;
	v28 =	vmin.f32 v28, $1.270000000e+02;
	v31 =	vsub.f32 v31, v2;
	[tilespmem:v13+s10+$0x0] =	vst.idx.add.f32.msk $0xffff, v27  }
0xe5: {  	v6 =	vmul.f32 v6, v3;
	v13 =	vtrunc.f32 v28;
	v27 =	vsub.f32 $1.000000000e+00, v14;
	[tilespmem:v16+s10+$0x0] =	vst.idx.add.f32.msk $0xffff, v11  }
0xe6: {  	vm0 =	vlt.s32 v9, $0x7F;
	v11 =	vsub.f32 v29, v2;
	v16 =	vsub.f32 v35, v2;
	[tilespmem:v21+s10+$0x0] =	vst.idx.add.f32.msk $0xffff, v30  }
0xe7: {  	v9 =	vnsel vm0, $0x7F, v9;
	v21 =	vsub.f32 v25, v2;
	v6 =	vmin.f32 v6, $1.270000000e+02;
	[tilespmem:v10+s10+$0x0] =	vst.idx.add.f32.msk $0xffff, v27  }
0xe8: {  	v10 =	vcvt.f32.s32 v13;
	v13 =	vmul.f32 v31, v3;
	[tilespmem:v12+s10+$0x0] =	vst.idx.add.f32.msk $0xffff, v22;
	v22 =	vadd.s32 v1, v9  }
0xe9: {  	v11 =	vmul.f32 v11, v3;
	v9 =	vmul.f32 v21, v3;
	v21 =	vadd.s32 v1, v34  }
0xea: {  	v27 =	vsub.f32 v4, v19;
	v12 =	vsub.f32 v33, v2;
	v25 =	vadd.s32 v1, v10  }
0xeb: {  	v4 =	vcvt.s32.f32 v10;
	v10 =	vadd.s32 $0x1, v10;
	[tilespmem:v17+s10+$0x0] =	vst.idx.add.f32.msk $0xffff, v32  }
0xec: {  	v11 =	vmin.f32 v11, $1.270000000e+02;
	vm0 =	vlt.s32 v10, $0x7F;
	v17 =	vsub.f32 $1.000000000e+00, v27;
	[tilespmem:v24+s10+$0x0] =	vst.idx.add.f32.msk $0xffff, v26  }
0xed: {  	v16 =	vmul.f32 v16, v3;
	v24 =	vsub.f32 v28, v4;
	v26 =	vmul.f32 v12, v3  }
0xee: {  	v29 =	vmin.f32 v9, $1.270000000e+02;
	v28 =	vnsel vm0, $0x7F, v10;
	v4 =	vmin.f32 v13, $1.270000000e+02;
	[tilespmem:v7+s10+$0x0] =	vst.idx.add.f32.msk $0xffff, v8  }
0xef: {  	v10 =	vmin.f32 v16, $1.270000000e+02;
	v7 =	vtrunc.f32 v29;
	v8 =	vtrunc.f32 v4;
	[tilespmem:v23+s10+$0x0] =	vst.idx.add.f32.msk $0xffff, v15  }
0xf0: {  	v19 =	vsub.f32 v38, v2;
	v12 =	vcvt.f32.s32 v7;
	v7 =	vtrunc.f32 v10;
	[tilespmem:v5+s10+$0x0] =	vst.idx.add.f32.msk $0xffff, v17  }
0xf1: {  	v16 =	vadd.s32 v1, v28;
	v9 =	vcvt.f32.s32 v8;
	v5 =	vsub.f32 $1.000000000e+00, v24;
	[tilespmem:v20+s10+$0x0] =	vst.idx.add.f32.msk $0xffff, v18  }
0xf2: {  	v15 =	vmin.f32 v26, $1.270000000e+02;
	v17 =	vcvt.f32.s32 v7;
	v7 =	vtrunc.f32 v11;
	[tilespmem:v22+s10+$0x0] =	vst.idx.add.f32.msk $0xffff, v27  }
0xf3: {  	v8 =	vadd.s32 $0x1, v12;
	v18 =	vtrunc.f32 v15;
	v13 =	vcvt.f32.s32 v7;
	[tilespmem:v21+s10+$0x0] =	vst.idx.add.f32.msk $0xffff, v14  }
0xf4: {  	vm0 =	vlt.s32 v8, $0x7F;
	v20 =	vadd.s32 $0x1, v17;
	v22 =	vcvt.f32.s32 v18;
	[tilespmem:v25+s10+$0x0] =	vst.idx.add.f32.msk $0xffff, v5  }
0xf5: {  	v7 =	vadd.s32 $0x1, v13;
	v5 =	vnsel vm0, $0x7F, v8;
	vm0 =	vlt.s32 v20, $0x7F  }
.Ltmp1:
0xf6: {  	v18 =	vcvt.s32.f32 v17;
	v8 =	vcvt.s32.f32 v12;
	vm1 =	vlt.s32 v7, $0x7F;
	[tilespmem:v16+s10+$0x0] =	vst.idx.add.f32.msk $0xffff, v24;
	(pc) =	sbr.rel @p0 .LBB2_4-.Ltmp1, $4  }
0xf7: {  	v23 =	vadd.s32 $0x1, v22;
	v14 =	vadd.s32 v1, v22;
	v16 =	vnsel vm1, $0x7F, v7  }
0xf8: {  	v21 =	vtrunc.f32 v6;
	v7 =	vadd.s32 v1, v5;
	v5 =	vadd.s32 v1, v9  }
0xf9: {  	v21 =	vcvt.f32.s32 v21;
	v8 =	vsub.f32 v29, v8;
	v24 =	vcvt.s32.f32 v13  }
0xfa: {  	s14 =	sadd.s32 $0x80, s14;
	v20 =	vnsel vm0, $0x7F, v20;
	vm0 =	vlt.s32 v23, $0x7F;
	v16 =	vadd.s32 v1, v16  }
0xfb: {  	v2 =	vmul.f32 v19, v3;
	v3 =	vcvt.s32.f32 v22;
	v13 =	vadd.s32 v1, v13  }
0xfc: {  	v11 =	vsub.f32 v11, v24;
	v60 =	vnsel vm0, $0x7F, v23;
	v12 =	vadd.s32 v1, v12  }
0xfd: {  	v61 =	vadd.s32 $0x1, v21;
	v62 =	vcvt.s32.f32 v21;
	v30 =	vadd.s32 v1, v17  }
0xfe: {  	v63 =	vadd.s32 v1, v21;
	v10 =	vsub.f32 v10, v18;
	v26 =	vsub.f32 $1.000000000e+00, v11  }
0xff: {  	v36 =	vsub.f32 $1.000000000e+00, v8;
	v37 =	vcvt.s32.f32 v9;
	v3 =	vsub.f32 v15, v3  }
0x100: {  	v38 =	vadd.s32 $0x1, v9;
	v39 =	vadd.s32 v1, v20;
	v18 =	vsub.f32 $1.000000000e+00, v10;
	[tilespmem:v13+s10+$0x0] =	vst.idx.add.f32.msk $0xffff, v26  }
0x101: {  	v2 =	vmin.f32 v2, $1.270000000e+02;
	v6 =	vsub.f32 v6, v62;
	v28 =	vsub.f32 $1.000000000e+00, v3;
	[tilespmem:v12+s10+$0x0] =	vst.idx.add.f32.msk $0xffff, v36  }
0x102: {  	vm13 =	vlt.s32 v61, $0x7F;
	vm14 =	vlt.s32 v38, $0x7F;
	v58 =	vtrunc.f32 v2;
	[tilespmem:v30+s10+$0x0] =	vst.idx.add.f32.msk $0xffff, v18  }
0x103: {  	v4 =	vsub.f32 v4, v37;
	v59 =	vcvt.f32.s32 v58;
	v32 =	vsub.f32 $1.000000000e+00, v6;
	[tilespmem:v14+s10+$0x0] =	vst.idx.add.f32.msk $0xffff, v28  }
0x104: {  	v35 =	vadd.s32 v1, v60;
	v31 =	vnsel vm13, $0x7F, v61;
	v9 =	vnsel vm14, $0x7F, v38;
	[tilespmem:v16+s10+$0x0] =	vst.idx.add.f32.msk $0xffff, v11  }
0x105: {  	v33 =	vadd.s32 v1, v31;
	v42 =	vsub.f32 $1.000000000e+00, v4;
	[tilespmem:v63+s10+$0x0] =	vst.idx.add.f32.msk $0xffff, v32;
	v15 =	vadd.s32 $0x1, v59  }
0x106: {  	v9 =	vadd.s32 v1, v9;
	v25 =	vcvt.s32.f32 v59;
	[tilespmem:v7+s10+$0x0] =	vst.idx.add.f32.msk $0xffff, v8;
	vm15 =	vlt.s32 v15, $0x7F  }
0x107: {  	v29 =	vadd.s32 v1, v59;
	[tilespmem:v5+s10+$0x0] =	vst.idx.add.f32.msk $0xffff, v42;
	v40 =	vnsel vm15, $0x7F, v15  }
0x108: {  	[tilespmem:v39+s10+$0x0] =	vst.idx.add.f32.msk $0xffff, v10;
	v2 =	vsub.f32 v2, v25;
	v41 =	vadd.s32 v1, v40  }
0x109: {  	[tilespmem:v35+s10+$0x0] =	vst.idx.add.f32.msk $0xffff, v3  }
0x10a: {  	[tilespmem:v33+s10+$0x0] =	vst.idx.add.f32.msk $0xffff, v6;
	v34 =	vsub.f32 $1.000000000e+00, v2  }
0x10b: {  	[tilespmem:v9+s10+$0x0] =	vst.idx.add.f32.msk $0xffff, v4  }
0x10c: {  	[tilespmem:v29+s10+$0x0] =	vst.idx.add.f32.msk $0xffff, v34  }
0x10d: {  	[tilespmem:v41+s10+$0x0] =	vst.idx.add.f32.msk $0xffff, v2  }
0x10e: {  	v2 =	vld [tilespmem:$0x5000]  }
0x10f: {  	v3 =	vld [tilespmem:$0x5080]  }
0x110: {  	v4 =	vld [tilespmem:$0x5100]  }
0x111: {  	v5 =	vld [tilespmem:$0x5180]  }
0x112: {  	v11 =	vld [tilespmem:$0x5200]  }
0x113: {  	v12 =	vld [tilespmem:$0x5280]  }
0x114: {  	v13 =	vld [tilespmem:$0x5300]  }
0x115: {  	v15 =	vld [tilespmem:$0x5380]  }
0x116: {  	v18 =	vld [tilespmem:$0x5400]  }
0x117: {  	v20 =	vld [tilespmem:$0x5480]  }
0x118: {  	v33 =	vld [tilespmem:$0x5500]  }
0x119: {  	v6 =	vld [tilespmem:$0x5580]  }
0x11a: {  	v43 =	vld [tilespmem:$0x5600]  }
0x11b: {  	v44 =	vld [tilespmem:$0x5680]  }
0x11c: {  	v45 =	vld [tilespmem:$0x5700]  }
0x11d: {  	v46 =	vld [tilespmem:$0x5780]  }
0x11e: {  	v7 =	vld [tilespmem:$0x5010]  }
0x11f: {  	v9 =	vld [tilespmem:$0x5090]  }
0x120: {  	v21 =	vld [tilespmem:$0x5110]  }
0x121: {  	v22 =	vld [tilespmem:$0x5190]  }
0x122: {  	v23 =	vld [tilespmem:$0x5210]  }
0x123: {  	v24 =	vld [tilespmem:$0x5290]  }
0x124: {  	v25 =	vld [tilespmem:$0x5310]  }
0x125: {  	v26 =	vld [tilespmem:$0x5390]  }
0x126: {  	v27 =	vld [tilespmem:$0x5410]  }
0x127: {  	v28 =	vld [tilespmem:$0x5490]  }
0x128: {  	v29 =	vld [tilespmem:$0x5510]  }
0x129: {  	v30 =	vld [tilespmem:$0x5590]  }
0x12a: {  	v32 =	vld [tilespmem:$0x5610]  }
0x12b: {  	v47 =	vld [tilespmem:$0x5690]  }
0x12c: {  	v48 =	vld [tilespmem:$0x5710]  }
0x12d: {  	v49 =	vld [tilespmem:$0x5790]  }
0x12e: {  	v10 =	vld [tilespmem:$0x5020]  }
0x12f: {  	v35 =	vld [tilespmem:$0x50A0]  }
0x130: {  	v36 =	vld [tilespmem:$0x5120]  }
0x131: {  	v37 =	vld [tilespmem:$0x51A0]  }
0x132: {  	v38 =	vld [tilespmem:$0x5220]  }
0x133: {  	v39 =	vld [tilespmem:$0x52A0]  }
0x134: {  	v40 =	vld [tilespmem:$0x5320]  }
0x135: {  	v41 =	vld [tilespmem:$0x53A0]  }
0x136: {  	v42 =	vld [tilespmem:$0x5420]  }
0x137: {  	v50 =	vld [tilespmem:$0x5030]  }
0x138: {  	v51 =	vld [tilespmem:$0x50B0]  }
0x139: {  	v52 =	vld [tilespmem:$0x5130]  }
0x13a: {  	v53 =	vld [tilespmem:$0x51B0]  }
0x13b: {  	v54 =	vld [tilespmem:$0x5230]  }
0x13c: {  	v55 =	vld [tilespmem:$0x52B0]  }
0x13d: {  	v56 =	vld [tilespmem:$0x5330]  }
0x13e: {  	v57 =	vld [tilespmem:$0x53B0]  }
0x13f: {  	v58 =	vld [tilespmem:$0x5430]  }
0x140: {  	v59 =	vld [tilespmem:$0x54B0]  }
0x141: {  	v60 =	vld [tilespmem:$0x5530]  }
0x142: {  	v61 =	vld [tilespmem:$0x55B0]  }
0x143: {  	v62 =	vld [tilespmem:$0x5630]  }
0x144: {  	v63 =	vld [tilespmem:$0x56B0]  }
0x145: {  	v16 =	vld [tilespmem:$0x57B0]  }
0x146: {  	v14 =	vld [tilespmem:$0x5040]  }
0x147: {  	v8 =	vld [tilespmem:$0x50C0]  }
0x148: {  	v17 =	vld [tilespmem:$0x5140]  }
0x149: {  	v19 =	vld [tilespmem:$0x51C0]  }
0x14a: {  	v31 =	vld [tilespmem:$0x5240]  }
0x14b: {  	v34 =	vld [tilespmem:$0x52C0]  }
0x14c: {  	[tilespmem:$0x1FF40] =	vst v43;
	v43 =	vld [tilespmem:$0x54A0]  }
0x14d: {  	[tilespmem:$0x1FF50] =	vst v44;
	v44 =	vld [tilespmem:$0x5520]  }
0x14e: {  	[tilespmem:$0x1FF70] =	vst v45;
	v45 =	vld [tilespmem:$0x55A0]  }
0x14f: {  	[tilespmem:$0x1FF90] =	vst v46;
	v46 =	vld [tilespmem:$0x5620]  }
0x150: {  	[tilespmem:$0x1FF60] =	vst v47;
	v47 =	vld [tilespmem:$0x56A0]  }
0x151: {  	[tilespmem:$0x1FF80] =	vst v48;
	v48 =	vld [tilespmem:$0x5720]  }
0x152: {  	[tilespmem:$0x1FFA0] =	vst v49;
	v49 =	vld [tilespmem:$0x57A0]  }
0x153: {  	[tilespmem:$0x1FF30] =	vst v6;
	v6 =	vld [tilespmem:$0x5730]  }
0x154: {  	[tilespmem:$0x1FFB0] =	vst v34;
	v34 =	vld [tilespmem:$0x5340]  }
0x155: {  	v2 =	vadd.f32 v3, v2;
	v3 =	vld [tilespmem:$0x53C0]  }
0x156: {  	v7 =	vadd.f32 v9, v7;
	v9 =	vld [tilespmem:$0x5440];
	v50 =	vadd.f32 v51, v50  }
0x157: {  	v2 =	vadd.f32 v4, v2;
	v4 =	vadd.f32 v35, v10;
	v10 =	vld [tilespmem:$0x54C0]  }
0x158: {  	v35 =	vadd.f32 v21, v7;
	v21 =	vld [tilespmem:$0x5540]  }
0x159: {  	v7 =	vld [tilespmem:$0x55C0];
	v50 =	vadd.f32 v52, v50  }
0x15a: {  	v2 =	vadd.f32 v5, v2;
	v5 =	vld [tilespmem:$0x5640]  }
0x15b: {  	v51 =	vadd.f32 v53, v50;
	v50 =	vld [tilespmem:$0x50F0]  }
0x15c: {  	v4 =	vadd.f32 v36, v4;
	v22 =	vadd.f32 v22, v35;
	v35 =	vld [tilespmem:$0x53E0]  }
0x15d: {  	v8 =	vadd.f32 v8, v14;
	[tilespmem:$0x1FFC0] =	vst v34;
	v34 =	vld [tilespmem:$0x50E0]  }
0x15e: {  	v36 =	vadd.f32 v37, v4;
	v4 =	vld [tilespmem:$0x56C0]  }
0x15f: {  	v8 =	vadd.f32 v17, v8;
	v2 =	vadd.f32 v11, v2;
	v11 =	vld [tilespmem:$0x5740]  }
0x160: {  	v22 =	vadd.f32 v23, v22;
	v23 =	vadd.f32 v54, v51;
	v54 =	vld [tilespmem:$0x50D0]  }
0x161: {  	v8 =	vadd.f32 v19, v8;
	v37 =	vld [tilespmem:$0x56D0]  }
0x162: {  	v51 =	vld [tilespmem:$0x1FFA0]  }
0x163: {  	v8 =	vadd.f32 v31, v8;
	v31 =	vld [tilespmem:$0x1FFB0]  }
0x164: {  	v12 =	vadd.f32 v12, v2;
	v2 =	vld [tilespmem:$0x57C0]  }
0x165: {  	v22 =	vadd.f32 v24, v22;
	v24 =	vld [tilespmem:$0x5050]  }
0x166: {  	v52 =	vadd.f32 v38, v36;
	v36 =	vld [tilespmem:$0x55D0]  }
0x167: {  	v23 =	vadd.f32 v55, v23;
	v55 =	vld [tilespmem:$0x51E0]  }
0x168: {  	v22 =	vadd.f32 v25, v22;
	v25 =	vld [tilespmem:$0x5150]  }
0x169: {  	v12 =	vadd.f32 v13, v12;
	v53 =	vadd.f32 v39, v52;
	v52 =	vld [tilespmem:$0x5160]  }
0x16a: {  	v39 =	vld [tilespmem:$0x1FFC0]  }
0x16b: {  	v23 =	vadd.f32 v56, v23;
	v12 =	vadd.f32 v15, v12;
	v15 =	vld [tilespmem:$0x51D0]  }
0x16c: {  	v22 =	vadd.f32 v26, v22;
	v26 =	vld [tilespmem:$0x5250]  }
0x16d: {  	v23 =	vadd.f32 v57, v23;
	v57 =	vld [tilespmem:$0x1FF30]  }
0x16e: {  	v13 =	vadd.f32 v40, v53;
	v53 =	vld [tilespmem:$0x5170]  }
0x16f: {  	v8 =	vadd.f32 v31, v8;
	v40 =	vld [tilespmem:$0x53F0];
	v54 =	vadd.f32 v54, v24  }
0x170: {  	v12 =	vadd.f32 v18, v12;
	v13 =	vadd.f32 v41, v13;
	v18 =	vld [tilespmem:$0x52D0]  }
0x171: {  	v22 =	vadd.f32 v27, v22;
	v27 =	vld [tilespmem:$0x5350];
	v23 =	vadd.f32 v58, v23  }
0x172: {  	v58 =	vld [tilespmem:$0x1FF40];
	v8 =	vadd.f32 v39, v8;
	v12 =	vadd.f32 v20, v12  }
0x173: {  	v41 =	vld [tilespmem:$0x5460];
	v13 =	vadd.f32 v42, v13;
	v22 =	vadd.f32 v28, v22  }
0x174: {  	v20 =	vld [tilespmem:$0x53D0];
	v23 =	vadd.f32 v59, v23;
	v3 =	vadd.f32 v3, v8  }
0x175: {  	v28 =	vld [tilespmem:$0x5450];
	v12 =	vadd.f32 v33, v12;
	v13 =	vadd.f32 v43, v13  }
0x176: {  	v59 =	vld [tilespmem:$0x1FF50];
	v22 =	vadd.f32 v29, v22;
	v23 =	vadd.f32 v60, v23  }
0x177: {  	v33 =	vld [tilespmem:$0x54D0];
	v3 =	vadd.f32 v9, v3;
	v13 =	vadd.f32 v44, v13  }
0x178: {  	v60 =	vld [tilespmem:$0x1FF60];
	v12 =	vadd.f32 v57, v12;
	v22 =	vadd.f32 v30, v22  }
0x179: {  	v23 =	vadd.f32 v61, v23;
	v61 =	vld [tilespmem:$0x5060];
	v13 =	vadd.f32 v45, v13  }
0x17a: {  	v29 =	vld [tilespmem:$0x5550];
	v3 =	vadd.f32 v10, v3;
	v12 =	vadd.f32 v58, v12  }
0x17b: {  	v23 =	vadd.f32 v62, v23;
	v13 =	vadd.f32 v46, v13;
	v46 =	vld [tilespmem:$0x5070]  }
0x17c: {  	v57 =	vld [tilespmem:$0x51F0];
	v22 =	vadd.f32 v32, v22;
	v3 =	vadd.f32 v21, v3  }
0x17d: {  	v62 =	vld [tilespmem:$0x1FF70];
	v12 =	vadd.f32 v59, v12;
	v23 =	vadd.f32 v63, v23  }
0x17e: {  	v45 =	vld [tilespmem:$0x1FF80];
	v22 =	vadd.f32 v60, v22;
	v56 =	vadd.f32 v34, v61  }
0x17f: {  	v59 =	vld [tilespmem:$0x5260];
	v3 =	vadd.f32 v7, v3;
	v6 =	vadd.f32 v6, v23  }
0x180: {  	v60 =	vld [tilespmem:$0x5270];
	v17 =	vadd.f32 v52, v56;
	v58 =	vadd.f32 v50, v46  }
0x181: {  	v61 =	vld [tilespmem:$0x52E0];
	v6 =	vadd.f32 v16, v6;
	v16 =	vadd.f32 v25, v54  }
0x182: {  	v63 =	vld [tilespmem:$0x5360];
	v17 =	vadd.f32 v55, v17;
	v14 =	vadd.f32 v53, v58  }
0x183: {  	v12 =	vadd.f32 v62, v12;
	v62 =	vld [tilespmem:$0x52F0];
	v15 =	vadd.f32 v15, v16  }
0x184: {  	v43 =	vld [tilespmem:$0x5470];
	v17 =	vadd.f32 v59, v17;
	v14 =	vadd.f32 v57, v14  }
0x185: {  	v34 =	vld [tilespmem:$0x5370];
	v13 =	vadd.f32 v47, v13;
	v15 =	vadd.f32 v26, v15  }
0x186: {  	v30 =	vld [tilespmem:$0x5650];
	v16 =	vadd.f32 v61, v17;
	v14 =	vadd.f32 v60, v14  }
0x187: {  	v44 =	vld [tilespmem:$0x54E0];
	v22 =	vadd.f32 v45, v22;
	v15 =	vadd.f32 v18, v15  }
0x188: {  	v47 =	vld [tilespmem:$0x1FF90];
	v42 =	vadd.f32 v63, v16;
	v14 =	vadd.f32 v62, v14  }
0x189: {  	v32 =	vld [tilespmem:$0x5750];
	v13 =	vadd.f32 v48, v13;
	v15 =	vadd.f32 v27, v15  }
0x18a: {  	v45 =	vld [tilespmem:$0x54F0];
	v8 =	vadd.f32 v35, v42;
	v14 =	vadd.f32 v34, v14  }
0x18b: {  	v22 =	vadd.f32 v51, v22;
	v46 =	vld [tilespmem:$0x5560];
	v15 =	vadd.f32 v20, v15  }
0x18c: {  	v48 =	vld [tilespmem:$0x55E0];
	v8 =	vadd.f32 v41, v8;
	v14 =	vadd.f32 v40, v14  }
0x18d: {  	v12 =	vadd.f32 v47, v12;
	v47 =	vld [tilespmem:$0x5570];
	v15 =	vadd.f32 v28, v15  }
0x18e: {  	v50 =	vld [tilespmem:$0x5660];
	v8 =	vadd.f32 v44, v8;
	v14 =	vadd.f32 v43, v14  }
0x18f: {  	v13 =	vadd.f32 v49, v13;
	v49 =	vld [tilespmem:$0x55F0];
	v15 =	vadd.f32 v33, v15  }
0x190: {  	v52 =	vld [tilespmem:$0x5670];
	v51 =	vadd.f32 v46, v8;
	v9 =	vadd.f32 v45, v14  }
0x191: {  	v3 =	vadd.f32 v5, v3;
	v54 =	vld [tilespmem:$0x56E0];
	v15 =	vadd.f32 v29, v15  }
0x192: {  	v56 =	vld [tilespmem:$0x56F0];
	v55 =	vadd.f32 v48, v51;
	v9 =	vadd.f32 v47, v9  }
0x193: {  	v3 =	vadd.f32 v4, v3;
	v58 =	vld [tilespmem:$0x5760];
	v53 =	vadd.f32 v36, v15  }
0x194: {  	v61 =	vld [tilespmem:$0x57E0];
	v59 =	vadd.f32 v50, v55;
	v9 =	vadd.f32 v49, v9  }
0x195: {  	v3 =	vadd.f32 v11, v3;
	v60 =	vld [tilespmem:$0x5770];
	v57 =	vadd.f32 v30, v53  }
0x196: {  	v38 =	vld [tilespmem:$0x57D0];
	v4 =	vadd.f32 v54, v59;
	v8 =	vadd.f32 v52, v9  }
0x197: {  	[tilespmem:$0x5830] =	vst v6;
	v2 =	vadd.f32 v2, v3;
	v62 =	vld [tilespmem:$0x57F0];
	v10 =	vadd.f32 v37, v57  }
0x198: {  	[tilespmem:$0x5810] =	vst v22;
	v3 =	vadd.f32 v58, v4;
	v7 =	vadd.f32 v56, v8  }
0x199: {  	[tilespmem:$0x5820] =	vst v13;
	v10 =	vadd.f32 v32, v10  }
0x19a: {  	[tilespmem:$0x5840] =	vst v2;
	v2 =	vadd.f32 v61, v3;
	v5 =	vadd.f32 v60, v7  }
0x19b: {  	[tilespmem:$0x5800] =	vst v12;
	v63 =	vadd.f32 v38, v10  }
0x19c: {  	s12 =	sadd.s32 $0x1, s12;
	[tilespmem:$0x5860] =	vst v2;
	v3 =	vadd.f32 v62, v5  }
0x19d: {  	p0 =	sne.s32 s12, s6;
	[tilespmem:$0x5850] =	vst v63  }
.Ltmp2:
0x19e: {  	[tilespmem:$0x5870] =	vst v3;
	(pc) =	sbr.rel @p0 .LBB2_1-.Ltmp2, $4  }
0x19f: {  	[hbm4b:s5+s2] =	stream.linear.scatter [tilespmem:s11], [sflag:$0x2], $0x80, $0x38;
	[tilespmem:$0x5880] =	vst v63  }
0x1a0: {  	_ =	swait.ge [sflag:s8], $0x80  }
0x1a1: {  	[sflag:s8] =	ssyncset.done $0x0  }
0x1a2: {  	[sflag:s8] =	ssyncadd.s32 $0xFFFFFF80  }
0x1a3: {  	_ =	sfence.sel $0x180000  }
0x1a4: {  	[bflag:$0x0] =	sbarrier.arrive $0xFFFF  }
0x1a5: {  	p0 =	sne.s32 s1, $0x0;
	_ =	strace $0x9000004A  }
0x1a6: {  	s0 =	sadd.s32 @!p0 $0x100000, s0;
	[bflag:$0x2] =	sbarrier.arrive $0xFFFF  }
0x1a7: {  	[sflag:s0] =	ssyncadd.tile.s32 @!p0 $0x1;
	_ =	shalt  }
.Lfunc_end2:
_tile_overlayer_lowered:
.L_overlay_start_2:
0x1a8: {  	(tag) =	ssettag $0x2  }
0x1a9: {  	s0 =	rddreg [dreg:$0x0];
	s2 =	stileid.u32  }
0x1aa: {  	s1 =	rddreg [dreg:$0x1];
	p0 =	sne.s32 s2, $0x0  }
0x1ab: {  	s3 =	rddreg [dreg:$0x2];
	[bflag:$0x3] =	sbarrier.arrive $0xFFFF;
	s2 =	simm.s32 @!p0 $0x1C02  }
0x1ac: {  	[timem:s3], [sflag:s2] =	dma.local @!p0 [hbm:s0], s1  }
0x1ad: {  	s0 =	simm.s32 @!p0 $0x2  }
0x1ae: {  	_ =	swait.ge @!p0 [sflag:s0], s1  }
0x1af: {  	s1 =	ssub.s32 @!p0 $0x0, s1;
	[sflag:s0] =	ssyncset.done @!p0 $0x0  }
0x1b0: {  	[sflag:s0] =	ssyncadd.s32 @!p0 s1  }
0x1b1: {  	[bflag:$0x3] =	sbarrier.arrive $0xFFFF  }
0x1b2: {  	_ =	shalt  }

</sc_bundles>
